<compile_context>
chip_gen: v7x
topology: tpu7x:2x2x1
jax: 0.10.2.dev20260603
libtpu: 0.0.44.dev20260713+nightly
codegen_flags: <defaults>
</compile_context>

<pallas_src>
import functools

import jax
import jax.numpy as jnp
from jax import lax
from jax.experimental import pallas as pl
from jax.experimental.pallas import tpu as pltpu
from jax.experimental.pallas import tpu_sc as plsc

_G = 64
_NC = 2
_NS = 16
_NW = _NC * _NS
_LANES = 16
_NB = 2000
_NBP = 2048


def _tc_matvec(x, W_rel, W_root, ei1d):
    n, d = x.shape
    steps = n // _NB

    def body(w1_ref, w2_ref, x_ref, ei_ref, o1_ref, o2_ref):
        del ei_ref
        w = jnp.concatenate([w1_ref[...], w2_ref[...]], axis=0)
        y = lax.dot_general(
            w, x_ref[...], (((1,), (1,)), ((), ())),
            precision=lax.Precision.HIGHEST,
            preferred_element_type=jnp.float32)
        y0p = jnp.concatenate(
            [y[0:1, :], jnp.zeros((1, _NBP - _NB), jnp.float32)], axis=1)
        o1_ref[...] = y0p.reshape(1, 1, _NBP)
        o2_ref[...] = y[1:2, :].reshape(1, 1, _NB)

    return pl.pallas_call(
        body,
        grid=(steps,),
        in_specs=[
            pl.BlockSpec((1, d), lambda i: (0, 0)),
            pl.BlockSpec((1, d), lambda i: (0, 0)),
            pl.BlockSpec((_NB, d), lambda i: (i, 0)),
            pl.BlockSpec(memory_space=pl.ANY),
        ],
        out_specs=[
            pl.BlockSpec((1, 1, _NBP), lambda i: (i, 0, 0)),
            pl.BlockSpec((1, 1, _NB), lambda i: (i, 0, 0)),
        ],
        out_shape=[
            jax.ShapeDtypeStruct((steps, 1, _NBP), jnp.float32),
            jax.ShapeDtypeStruct((steps, 1, _NB), jnp.float32),
        ],
    )(W_rel, W_root, x, ei1d)


def _sc_edge_sum(y_rel, ei1d, e, n, ch):
    chv = ch + _LANES - ch % _LANES if ch % _LANES else ch
    nyp = n + _LANES
    seg = -(-n // (_NS * _LANES)) * _LANES
    seg_l = n - seg * (_NS - 1)
    mesh = plsc.VectorSubcoreMesh(
        core_axis_name="c", subcore_axis_name="s",
        num_cores=_NC, num_subcores=_NS)

    @functools.partial(
        pl.kernel,
        out_type=jax.ShapeDtypeStruct((2 * n,), jnp.float32),
        mesh=mesh,
        compiler_params=pltpu.CompilerParams(
            needs_layout_passes=False, use_tc_tiling_on_sc=False),
        scratch_types=[
            pltpu.VMEM((nyp,), jnp.float32),
            pltpu.VMEM((n,), jnp.float32),
            pltpu.VMEM((chv,), jnp.int32),
            pltpu.VMEM((chv,), jnp.int32),
            pltpu.VMEM((_NS, seg), jnp.float32),
            pltpu.VMEM((seg,), jnp.float32),
            pltpu.VMEM_SHARED((_NS, n), jnp.float32),
            pltpu.SemaphoreType.DMA,
        ],
    )
    def k(y_hbm, ei_hbm, out_hbm,
          y_v, acc_v, src_v, dst_v, tmp_v, red_v, shared, sem):
        cid = lax.axis_index("c")
        sid = lax.axis_index("s")
        wid = cid * _NS + sid
        base = pl.multiple_of(wid * ch, 8)
        if chv != ch:
            src_v[pl.ds(chv - _LANES, _LANES)] = jnp.full(
                (_LANES,), n, jnp.int32)
            dst_v[pl.ds(chv - _LANES, _LANES)] = jnp.zeros(
                (_LANES,), jnp.int32)
        copies = [
            pltpu.async_copy(y_hbm.at[pl.ds(kk * _NBP, _NB)],
                             y_v.at[pl.ds(kk * _NB, _NB)], sem)
            for kk in range(n // _NB)
        ]
        y_v[pl.ds(n, _LANES)] = jnp.zeros((_LANES,), jnp.float32)
        for cp in copies:
            cp.wait()
        pltpu.sync_copy(ei_hbm.at[pl.ds(base, ch)], src_v.at[pl.ds(0, ch)])
        pltpu.sync_copy(ei_hbm.at[pl.ds(e + base, ch)],
                        dst_v.at[pl.ds(0, ch)])

        @plsc.parallel_loop(0, n // _LANES, unroll=8)
        def zero_body(i):
            acc_v[pl.ds(i * _LANES, _LANES)] = jnp.zeros(
                (_LANES,), jnp.float32)

        @plsc.parallel_loop(0, chv // _LANES, unroll=16)
        def edge_body(i):
            off = i * _LANES
            s = src_v[pl.ds(off, _LANES)]
            dd = dst_v[pl.ds(off, _LANES)]
            v = plsc.load_gather(y_v, [s])
            plsc.addupdate_scatter(acc_v, [dd], v)

        pltpu.sync_copy(acc_v, shared.at[sid])
        plsc.subcore_barrier()

        def reduce_slice(length):
            off = pl.multiple_of(sid * seg, 8)
            pltpu.sync_copy(shared.at[:, pl.ds(off, length)],
                            tmp_v.at[:, pl.ds(0, length)])

            @plsc.parallel_loop(0, length // _LANES, unroll=2)
            def red_body(v):
                accv = tmp_v[0, pl.ds(v * _LANES, _LANES)]
                for p in range(1, _NS):
                    accv = accv + tmp_v[p, pl.ds(v * _LANES, _LANES)]
                red_v[pl.ds(v * _LANES, _LANES)] = accv
            pltpu.sync_copy(
                red_v.at[pl.ds(0, length)],
                out_hbm.at[pl.ds(cid * n + off, length)])

        @pl.when(sid < _NS - 1)
        def _():
            reduce_slice(seg)

        @pl.when(sid == _NS - 1)
        def _():
            reduce_slice(seg_l)

    return k(y_rel, ei1d)


def _tc_softmax_pool(x, xc2, y_root3, batch3, bias2d):
    n, d = x.shape
    steps = n // _NB

    def body(xcp_ref, yr_ref, bat_ref, b_ref, x_ref, o_ref, xc_ref, sc_ref):
        j = pl.program_id(0)
        neg = jnp.float32(-1e30)

        @pl.when(j == 0)
        def _():
            seg_max = jnp.full((_G, 1), neg, jnp.float32)
            a = xcp_ref[...]
            conv10 = a[0:n] + a[n:2 * n]
            for jb in range(steps):
                conv = conv10[jb * _NB:(jb + 1) * _NB].reshape(1, _NB)
                xc = conv + yr_ref[jb] + b_ref[0, 0]
                xc_ref[jb] = xc
                m = (bat_ref[jb] == lax.broadcasted_iota(
                    jnp.int32, (_G, _NB), 0))
                seg_max = jnp.maximum(
                    seg_max,
                    jnp.max(jnp.where(m, xc, neg), axis=1, keepdims=True))
            denom = jnp.zeros((_G, 1), jnp.float32)
            for jb in range(steps):
                m = (bat_ref[jb] == lax.broadcasted_iota(
                    jnp.int32, (_G, _NB), 0)).astype(jnp.float32)
                shift = xc_ref[jb] - jnp.sum(m * seg_max, axis=0,
                                             keepdims=True)
                ex = jnp.exp(jnp.minimum(shift, 0.0))
                xc_ref[jb] = ex
                denom = denom + jnp.sum(m * ex, axis=1, keepdims=True)
            inv = 1.0 / (denom + 1e-16)
            for jb in range(steps):
                m = (bat_ref[jb] == lax.broadcasted_iota(
                    jnp.int32, (_G, _NB), 0)).astype(jnp.float32)
                sc_ref[jb] = xc_ref[jb] * jnp.sum(m * inv, axis=0,
                                                  keepdims=True)
            o_ref[...] = jnp.zeros_like(o_ref)

        m = (bat_ref[j] == lax.broadcasted_iota(
            jnp.int32, (_G, _NB), 0)).astype(jnp.float32)
        p = m * sc_ref[j]
        o_ref[...] += lax.dot_general(
            p, x_ref[...], (((1,), (0,)), ((), ())),
            preferred_element_type=jnp.float32)

    return pl.pallas_call(
        body,
        grid=(steps,),
        in_specs=[
            pl.BlockSpec((2 * n,), lambda i: (0,)),
            pl.BlockSpec((steps, 1, _NB), lambda i: (0, 0, 0)),
            pl.BlockSpec((steps, 1, _NB), lambda i: (0, 0, 0)),
            pl.BlockSpec((1, 1), lambda i: (0, 0)),
            pl.BlockSpec((_NB, d), lambda i: (i, 0)),
        ],
        out_specs=pl.BlockSpec((_G, d), lambda i: (0, 0)),
        out_shape=jax.ShapeDtypeStruct((_G, d), jnp.float32),
        scratch_shapes=[
            pltpu.VMEM((steps, 1, _NB), jnp.float32),
            pltpu.VMEM((steps, 1, _NB), jnp.float32),
        ],
    )(xc2, y_root3, batch3, bias2d, x)


def kernel(x, edge_index, batch, W_rel, b_rel, W_root):
    n, d = x.shape
    e = edge_index.shape[1]
    steps = n // _NB
    ch = -(-e // (_NW * 8)) * 8

    batch3 = batch.reshape(steps, 1, _NB)
    bias2d = b_rel.reshape(1, 1)
    ei1d = edge_index.reshape(2 * e)

    y_rel3, y_root3 = _tc_matvec(x, W_rel, W_root, ei1d)
    xc2 = _sc_edge_sum(y_rel3.reshape(steps * _NBP), ei1d, e, n, ch)
    gx = _tc_softmax_pool(x, xc2, y_root3, batch3, bias2d)
    return gx

# --- scband reference (transcript-rebuilt; emitter-appended) ---
"""Pipeline reference for scband-global-attention-pool-17729624998554 (READ-ONLY COPY).

The authoritative reference and input builder live on the scoring server;
editing this copy changes nothing except your own understanding.
"""

import jax, jax.numpy as jnp
import numpy as np

N = 10000
E = 160000
D = 256
G = 64


def setup_inputs(seed: int = 0) -> dict:
    key = jax.random.key(seed)
    k1, k2, k3, k4, k5, k6 = jax.random.split(key, 6)
    x = jax.random.normal(k1, (N, D), dtype=jnp.float32)
    edge_index = jax.random.randint(k2, (2, E), 0, N, dtype=jnp.int32)
    batch = jnp.sort(jax.random.randint(k3, (N,), 0, G, dtype=jnp.int32))
    # GraphConv(hidden_dim=D, out_channels=1): lin_rel (with bias) applied to the
    # add-aggregated neighbor features, lin_root (no bias) applied to self features.
    W_rel = jax.random.normal(k4, (1, D), dtype=jnp.float32) * 0.05
    b_rel = jnp.zeros((1,), dtype=jnp.float32)
    W_root = jax.random.normal(k5, (1, D), dtype=jnp.float32) * 0.05
    return {"x": x, "edge_index": edge_index, "batch": batch,
            "W_rel": W_rel, "b_rel": b_rel, "W_root": W_root}


def reference(x, edge_index, batch, W_rel, b_rel, W_root):
    src = edge_index[0]
    dst = edge_index[1]
    # GraphConv: out[i] = lin_rel(sum_{j in N(i)} x[j]) + lin_root(x[i])
    agg = jax.ops.segment_sum(x[src], dst, num_segments=N)
    x_conv = agg @ W_rel.T + b_rel + x @ W_root.T  # [N, 1]
    # segment softmax over nodes grouped by batch (PyG softmax with max-shift)
    seg_max = jax.ops.segment_max(x_conv, batch, num_segments=G)
    shifted = x_conv - seg_max[batch]
    ex = jnp.exp(shifted)
    denom = jax.ops.segment_sum(ex, batch, num_segments=G)
    scores = ex / (denom[batch] + 1e-16)
    # global_add_pool(x * scores, batch)
    gx = jax.ops.segment_sum(x * scores, batch, num_segments=G)
    return gx

if __name__ == "__main__":
    import jax
    _d = setup_inputs()
    print(jax.jit(kernel)(*tuple(_d.values())))

</pallas_src>

<mosaic_0001>
#map = affine_map<(d0, d1) -> (0)>
module attributes {stable_mosaic.version = 14 : i64} {
  func.func @k(%arg0: i32, %arg1: i32, %arg2: memref<10240xf32, #tpu.memory_space<hbm>>, %arg3: memref<320000xi32, #tpu.memory_space<hbm>>, %arg4: memref<20000xf32, #tpu.memory_space<hbm>>, %arg5: memref<10016xf32, #tpu.memory_space<vmem>>, %arg6: memref<10000xf32, #tpu.memory_space<vmem>>, %arg7: memref<5008xi32, #tpu.memory_space<vmem>>, %arg8: memref<5008xi32, #tpu.memory_space<vmem>>, %arg9: memref<16x640xf32, #tpu.memory_space<vmem>>, %arg10: memref<640xf32, #tpu.memory_space<vmem>>, %arg11: memref<16x10000xf32, #tpu.memory_space<vmem_shared>>, %arg12: memref<!tpu.dma_semaphore, #tpu.memory_space<semaphore_mem>>) attributes {dimension_semantics = [#tpu.dimension_semantics<core_parallel>, #tpu.dimension_semantics<subcore_parallel>], iteration_bounds = array<i64: 2, 16>, scalar_prefetch = 0 : i64, scratch_operands = 8 : i64, tpu.core_type = #tpu.core_type<sc_vector_subcore>, window_params = [{transform_indices = #map}, {transform_indices = #map}, {transform_indices = #map}]} {
    %mul3A = arith.constant 16 : i32
    %mul3A_0 = arith.muli %arg0, %mul3A : i32
    %add3A = arith.addi %mul3A_0, %arg1 : i32
    %mul3A_1 = arith.constant 5000 : i32
    %mul3A_2 = arith.muli %add3A, %mul3A_1 : i32
    %multiple_of3A = tpu.assume_multiple %mul3A_2, 8 : i32
    %broadcast_in_dim3A = arith.constant 10000 : i32
    %broadcast_in_dim3A_3 = vector.broadcast %broadcast_in_dim3A : i32 to vector<16xi32>
    %swap3A = arith.constant 4992 : index
    %swap3A_4 = tpu.vector_load %arg7[%swap3A] {strides = array<i32>} : memref<5008xi32, #tpu.memory_space<vmem>>, vector<16xi32>,
    tpu.vector_store %arg7[%swap3A], %broadcast_in_dim3A_3 {strides = array<i32>} : memref<5008xi32, #tpu.memory_space<vmem>>, vector<16xi32>,
    %broadcast_in_dim3A_5 = arith.constant 0 : i32
    %broadcast_in_dim3A_6 = vector.broadcast %broadcast_in_dim3A_5 : i32 to vector<16xi32>
    %swap3A_7 = arith.constant 4992 : index
    %swap3A_8 = tpu.vector_load %arg8[%swap3A_7] {strides = array<i32>} : memref<5008xi32, #tpu.memory_space<vmem>>, vector<16xi32>,
    tpu.vector_store %arg8[%swap3A_7], %broadcast_in_dim3A_6 {strides = array<i32>} : memref<5008xi32, #tpu.memory_space<vmem>>, vector<16xi32>,
    %dma_start3A = arith.constant 0 : i32
    %dma_start3A_9 = tpu.memref_slice %arg5[%dma_start3A] : memref<10016xf32, #tpu.memory_space<vmem>> -> memref<2000xf32, #tpu.memory_space<vmem>>
    %dma_start3A_10 = arith.constant 0 : i32
    %dma_start3A_11 = tpu.memref_slice %arg2[%dma_start3A_10] : memref<10240xf32, #tpu.memory_space<hbm>> -> memref<2000xf32, #tpu.memory_space<hbm>>
    %dma_start3A_12 = arith.constant 0 : i32
    %dma_start3A_13 = tpu.memref_slice %arg5[%dma_start3A_12] : memref<10016xf32, #tpu.memory_space<vmem>> -> memref<2000xf32, #tpu.memory_space<vmem>>
    %dma_start3A_14 = arith.constant 0 : i32
    %dma_start3A_15 = tpu.memref_slice %arg2[%dma_start3A_14] : memref<10240xf32, #tpu.memory_space<hbm>> -> memref<2000xf32, #tpu.memory_space<hbm>>
    tpu.enqueue_dma source(%dma_start3A_15 : memref<2000xf32, #tpu.memory_space<hbm>>) target(%dma_start3A_13 : memref<2000xf32, #tpu.memory_space<vmem>>) target_semaphore(%arg12 : memref<!tpu.dma_semaphore, #tpu.memory_space<semaphore_mem>>)
    %dma_start3A_16 = arith.constant 2000 : i32
    %dma_start3A_17 = tpu.memref_slice %arg5[%dma_start3A_16] : memref<10016xf32, #tpu.memory_space<vmem>> -> memref<2000xf32, #tpu.memory_space<vmem>>
    %dma_start3A_18 = arith.constant 2048 : i32
    %dma_start3A_19 = tpu.memref_slice %arg2[%dma_start3A_18] : memref<10240xf32, #tpu.memory_space<hbm>> -> memref<2000xf32, #tpu.memory_space<hbm>>
    %dma_start3A_20 = arith.constant 2000 : i32
    %dma_start3A_21 = tpu.memref_slice %arg5[%dma_start3A_20] : memref<10016xf32, #tpu.memory_space<vmem>> -> memref<2000xf32, #tpu.memory_space<vmem>>
    %dma_start3A_22 = arith.constant 2048 : i32
    %dma_start3A_23 = tpu.memref_slice %arg2[%dma_start3A_22] : memref<10240xf32, #tpu.memory_space<hbm>> -> memref<2000xf32, #tpu.memory_space<hbm>>
    tpu.enqueue_dma source(%dma_start3A_23 : memref<2000xf32, #tpu.memory_space<hbm>>) target(%dma_start3A_21 : memref<2000xf32, #tpu.memory_space<vmem>>) target_semaphore(%arg12 : memref<!tpu.dma_semaphore, #tpu.memory_space<semaphore_mem>>)
    %dma_start3A_24 = arith.constant 4000 : i32
    %dma_start3A_25 = tpu.memref_slice %arg5[%dma_start3A_24] : memref<10016xf32, #tpu.memory_space<vmem>> -> memref<2000xf32, #tpu.memory_space<vmem>>
    %dma_start3A_26 = arith.constant 4096 : i32
    %dma_start3A_27 = tpu.memref_slice %arg2[%dma_start3A_26] : memref<10240xf32, #tpu.memory_space<hbm>> -> memref<2000xf32, #tpu.memory_space<hbm>>
    %dma_start3A_28 = arith.constant 4000 : i32
    %dma_start3A_29 = tpu.memref_slice %arg5[%dma_start3A_28] : memref<10016xf32, #tpu.memory_space<vmem>> -> memref<2000xf32, #tpu.memory_space<vmem>>
    %dma_start3A_30 = arith.constant 4096 : i32
    %dma_start3A_31 = tpu.memref_slice %arg2[%dma_start3A_30] : memref<10240xf32, #tpu.memory_space<hbm>> -> memref<2000xf32, #tpu.memory_space<hbm>>
    tpu.enqueue_dma source(%dma_start3A_31 : memref<2000xf32, #tpu.memory_space<hbm>>) target(%dma_start3A_29 : memref<2000xf32, #tpu.memory_space<vmem>>) target_semaphore(%arg12 : memref<!tpu.dma_semaphore, #tpu.memory_space<semaphore_mem>>)
    %dma_start3A_32 = arith.constant 6000 : i32
    %dma_start3A_33 = tpu.memref_slice %arg5[%dma_start3A_32] : memref<10016xf32, #tpu.memory_space<vmem>> -> memref<2000xf32, #tpu.memory_space<vmem>>
    %dma_start3A_34 = arith.constant 6144 : i32
    %dma_start3A_35 = tpu.memref_slice %arg2[%dma_start3A_34] : memref<10240xf32, #tpu.memory_space<hbm>> -> memref<2000xf32, #tpu.memory_space<hbm>>
    %dma_start3A_36 = arith.constant 6000 : i32
    %dma_start3A_37 = tpu.memref_slice %arg5[%dma_start3A_36] : memref<10016xf32, #tpu.memory_space<vmem>> -> memref<2000xf32, #tpu.memory_space<vmem>>
    %dma_start3A_38 = arith.constant 6144 : i32
    %dma_start3A_39 = tpu.memref_slice %arg2[%dma_start3A_38] : memref<10240xf32, #tpu.memory_space<hbm>> -> memref<2000xf32, #tpu.memory_space<hbm>>
    tpu.enqueue_dma source(%dma_start3A_39 : memref<2000xf32, #tpu.memory_space<hbm>>) target(%dma_start3A_37 : memref<2000xf32, #tpu.memory_space<vmem>>) target_semaphore(%arg12 : memref<!tpu.dma_semaphore, #tpu.memory_space<semaphore_mem>>)
    %dma_start3A_40 = arith.constant 8000 : i32
    %dma_start3A_41 = tpu.memref_slice %arg5[%dma_start3A_40] : memref<10016xf32, #tpu.memory_space<vmem>> -> memref<2000xf32, #tpu.memory_space<vmem>>
    %dma_start3A_42 = arith.constant 8192 : i32
    %dma_start3A_43 = tpu.memref_slice %arg2[%dma_start3A_42] : memref<10240xf32, #tpu.memory_space<hbm>> -> memref<2000xf32, #tpu.memory_space<hbm>>
    %dma_start3A_44 = arith.constant 8000 : i32
    %dma_start3A_45 = tpu.memref_slice %arg5[%dma_start3A_44] : memref<10016xf32, #tpu.memory_space<vmem>> -> memref<2000xf32, #tpu.memory_space<vmem>>
    %dma_start3A_46 = arith.constant 8192 : i32
    %dma_start3A_47 = tpu.memref_slice %arg2[%dma_start3A_46] : memref<10240xf32, #tpu.memory_space<hbm>> -> memref<2000xf32, #tpu.memory_space<hbm>>
    tpu.enqueue_dma source(%dma_start3A_47 : memref<2000xf32, #tpu.memory_space<hbm>>) target(%dma_start3A_45 : memref<2000xf32, #tpu.memory_space<vmem>>) target_semaphore(%arg12 : memref<!tpu.dma_semaphore, #tpu.memory_space<semaphore_mem>>)
    %broadcast_in_dim3A_48 = arith.constant 0.000000e+00 : f32
    %broadcast_in_dim3A_49 = vector.broadcast %broadcast_in_dim3A_48 : f32 to vector<16xf32>
    %swap3A_50 = arith.constant 10000 : index
    %swap3A_51 = tpu.vector_load %arg5[%swap3A_50] {strides = array<i32>} : memref<10016xf32, #tpu.memory_space<vmem>>, vector<16xf32>,
    tpu.vector_store %arg5[%swap3A_50], %broadcast_in_dim3A_49 {strides = array<i32>} : memref<10016xf32, #tpu.memory_space<vmem>>, vector<16xf32>,
    %dma_wait3A = arith.constant 0 : i32
    %dma_wait3A_52 = tpu.memref_slice %arg5[%dma_wait3A] : memref<10016xf32, #tpu.memory_space<vmem>> -> memref<2000xf32, #tpu.memory_space<vmem>>
    %dma_wait3A_53 = arith.constant 0 : i32
    %dma_wait3A_54 = tpu.memref_slice %arg2[%dma_wait3A_53] : memref<10240xf32, #tpu.memory_space<hbm>> -> memref<2000xf32, #tpu.memory_space<hbm>>
    %dma_wait3A_55 = arith.constant 0 : i32
    %dma_wait3A_56 = tpu.memref_slice %arg5[%dma_wait3A_55] : memref<10016xf32, #tpu.memory_space<vmem>> -> memref<2000xf32, #tpu.memory_space<vmem>>
    %dma_wait3A_57 = arith.constant 0 : i32
    %dma_wait3A_58 = tpu.memref_slice %arg2[%dma_wait3A_57] : memref<10240xf32, #tpu.memory_space<hbm>> -> memref<2000xf32, #tpu.memory_space<hbm>>
    tpu.wait_dma2 semaphore(%arg12 : memref<!tpu.dma_semaphore, #tpu.memory_space<semaphore_mem>>) src(%dma_wait3A_58 : memref<2000xf32, #tpu.memory_space<hbm>>) dst(%dma_wait3A_56 : memref<2000xf32, #tpu.memory_space<vmem>>)
    %dma_wait3A_59 = arith.constant 2000 : i32
    %dma_wait3A_60 = tpu.memref_slice %arg5[%dma_wait3A_59] : memref<10016xf32, #tpu.memory_space<vmem>> -> memref<2000xf32, #tpu.memory_space<vmem>>
    %dma_wait3A_61 = arith.constant 2048 : i32
    %dma_wait3A_62 = tpu.memref_slice %arg2[%dma_wait3A_61] : memref<10240xf32, #tpu.memory_space<hbm>> -> memref<2000xf32, #tpu.memory_space<hbm>>
    %dma_wait3A_63 = arith.constant 2000 : i32
    %dma_wait3A_64 = tpu.memref_slice %arg5[%dma_wait3A_63] : memref<10016xf32, #tpu.memory_space<vmem>> -> memref<2000xf32, #tpu.memory_space<vmem>>
    %dma_wait3A_65 = arith.constant 2048 : i32
    %dma_wait3A_66 = tpu.memref_slice %arg2[%dma_wait3A_65] : memref<10240xf32, #tpu.memory_space<hbm>> -> memref<2000xf32, #tpu.memory_space<hbm>>
    tpu.wait_dma2 semaphore(%arg12 : memref<!tpu.dma_semaphore, #tpu.memory_space<semaphore_mem>>) src(%dma_wait3A_66 : memref<2000xf32, #tpu.memory_space<hbm>>) dst(%dma_wait3A_64 : memref<2000xf32, #tpu.memory_space<vmem>>)
    %dma_wait3A_67 = arith.constant 4000 : i32
    %dma_wait3A_68 = tpu.memref_slice %arg5[%dma_wait3A_67] : memref<10016xf32, #tpu.memory_space<vmem>> -> memref<2000xf32, #tpu.memory_space<vmem>>
    %dma_wait3A_69 = arith.constant 4096 : i32
    %dma_wait3A_70 = tpu.memref_slice %arg2[%dma_wait3A_69] : memref<10240xf32, #tpu.memory_space<hbm>> -> memref<2000xf32, #tpu.memory_space<hbm>>
    %dma_wait3A_71 = arith.constant 4000 : i32
    %dma_wait3A_72 = tpu.memref_slice %arg5[%dma_wait3A_71] : memref<10016xf32, #tpu.memory_space<vmem>> -> memref<2000xf32, #tpu.memory_space<vmem>>
    %dma_wait3A_73 = arith.constant 4096 : i32
    %dma_wait3A_74 = tpu.memref_slice %arg2[%dma_wait3A_73] : memref<10240xf32, #tpu.memory_space<hbm>> -> memref<2000xf32, #tpu.memory_space<hbm>>
    tpu.wait_dma2 semaphore(%arg12 : memref<!tpu.dma_semaphore, #tpu.memory_space<semaphore_mem>>) src(%dma_wait3A_74 : memref<2000xf32, #tpu.memory_space<hbm>>) dst(%dma_wait3A_72 : memref<2000xf32, #tpu.memory_space<vmem>>)
    %dma_wait3A_75 = arith.constant 6000 : i32
    %dma_wait3A_76 = tpu.memref_slice %arg5[%dma_wait3A_75] : memref<10016xf32, #tpu.memory_space<vmem>> -> memref<2000xf32, #tpu.memory_space<vmem>>
    %dma_wait3A_77 = arith.constant 6144 : i32
    %dma_wait3A_78 = tpu.memref_slice %arg2[%dma_wait3A_77] : memref<10240xf32, #tpu.memory_space<hbm>> -> memref<2000xf32, #tpu.memory_space<hbm>>
    %dma_wait3A_79 = arith.constant 6000 : i32
    %dma_wait3A_80 = tpu.memref_slice %arg5[%dma_wait3A_79] : memref<10016xf32, #tpu.memory_space<vmem>> -> memref<2000xf32, #tpu.memory_space<vmem>>
    %dma_wait3A_81 = arith.constant 6144 : i32
    %dma_wait3A_82 = tpu.memref_slice %arg2[%dma_wait3A_81] : memref<10240xf32, #tpu.memory_space<hbm>> -> memref<2000xf32, #tpu.memory_space<hbm>>
    tpu.wait_dma2 semaphore(%arg12 : memref<!tpu.dma_semaphore, #tpu.memory_space<semaphore_mem>>) src(%dma_wait3A_82 : memref<2000xf32, #tpu.memory_space<hbm>>) dst(%dma_wait3A_80 : memref<2000xf32, #tpu.memory_space<vmem>>)
    %dma_wait3A_83 = arith.constant 8000 : i32
    %dma_wait3A_84 = tpu.memref_slice %arg5[%dma_wait3A_83] : memref<10016xf32, #tpu.memory_space<vmem>> -> memref<2000xf32, #tpu.memory_space<vmem>>
    %dma_wait3A_85 = arith.constant 8192 : i32
    %dma_wait3A_86 = tpu.memref_slice %arg2[%dma_wait3A_85] : memref<10240xf32, #tpu.memory_space<hbm>> -> memref<2000xf32, #tpu.memory_space<hbm>>
    %dma_wait3A_87 = arith.constant 8000 : i32
    %dma_wait3A_88 = tpu.memref_slice %arg5[%dma_wait3A_87] : memref<10016xf32, #tpu.memory_space<vmem>> -> memref<2000xf32, #tpu.memory_space<vmem>>
    %dma_wait3A_89 = arith.constant 8192 : i32
    %dma_wait3A_90 = tpu.memref_slice %arg2[%dma_wait3A_89] : memref<10240xf32, #tpu.memory_space<hbm>> -> memref<2000xf32, #tpu.memory_space<hbm>>
    tpu.wait_dma2 semaphore(%arg12 : memref<!tpu.dma_semaphore, #tpu.memory_space<semaphore_mem>>) src(%dma_wait3A_90 : memref<2000xf32, #tpu.memory_space<hbm>>) dst(%dma_wait3A_88 : memref<2000xf32, #tpu.memory_space<vmem>>)
    "tpu.region"() ({
      %run_scoped3A = tpu.sem_alloc : memref<!tpu.dma_semaphore, #tpu.memory_space<semaphore_mem>>
      %dma_start3A_104 = arith.constant 0 : i32
      %dma_start3A_105 = tpu.memref_slice %arg7[%dma_start3A_104] : memref<5008xi32, #tpu.memory_space<vmem>> -> memref<5000xi32, #tpu.memory_space<vmem>>
      %dma_start3A_106 = tpu.memref_slice %arg3[%multiple_of3A] : memref<320000xi32, #tpu.memory_space<hbm>> -> memref<5000xi32, #tpu.memory_space<hbm>>
      %dma_start3A_107 = arith.constant 0 : i32
      %dma_start3A_108 = tpu.memref_slice %arg7[%dma_start3A_107] : memref<5008xi32, #tpu.memory_space<vmem>> -> memref<5000xi32, #tpu.memory_space<vmem>>
      %dma_start3A_109 = tpu.memref_slice %arg3[%multiple_of3A] : memref<320000xi32, #tpu.memory_space<hbm>> -> memref<5000xi32, #tpu.memory_space<hbm>>
      tpu.enqueue_dma source(%dma_start3A_109 : memref<5000xi32, #tpu.memory_space<hbm>>) target(%dma_start3A_108 : memref<5000xi32, #tpu.memory_space<vmem>>) target_semaphore(%run_scoped3A : memref<!tpu.dma_semaphore, #tpu.memory_space<semaphore_mem>>)
      %dma_wait3A_110 = arith.constant 0 : i32
      %dma_wait3A_111 = tpu.memref_slice %arg7[%dma_wait3A_110] : memref<5008xi32, #tpu.memory_space<vmem>> -> memref<5000xi32, #tpu.memory_space<vmem>>
      %dma_wait3A_112 = tpu.memref_slice %arg3[%multiple_of3A] : memref<320000xi32, #tpu.memory_space<hbm>> -> memref<5000xi32, #tpu.memory_space<hbm>>
      %dma_wait3A_113 = arith.constant 0 : i32
      %dma_wait3A_114 = tpu.memref_slice %arg7[%dma_wait3A_113] : memref<5008xi32, #tpu.memory_space<vmem>> -> memref<5000xi32, #tpu.memory_space<vmem>>
      %dma_wait3A_115 = tpu.memref_slice %arg3[%multiple_of3A] : memref<320000xi32, #tpu.memory_space<hbm>> -> memref<5000xi32, #tpu.memory_space<hbm>>
      tpu.wait_dma2 semaphore(%run_scoped3A : memref<!tpu.dma_semaphore, #tpu.memory_space<semaphore_mem>>) src(%dma_wait3A_115 : memref<5000xi32, #tpu.memory_space<hbm>>) dst(%dma_wait3A_114 : memref<5000xi32, #tpu.memory_space<vmem>>)
      tpu.yield
    }) : () -> ()
    %add3A_91 = arith.constant 160000 : i32
    %add3A_92 = arith.addi %add3A_91, %multiple_of3A : i32
    "tpu.region"() ({
      %run_scoped3A = tpu.sem_alloc : memref<!tpu.dma_semaphore, #tpu.memory_space<semaphore_mem>>
      %dma_start3A_104 = arith.constant 0 : i32
      %dma_start3A_105 = tpu.memref_slice %arg8[%dma_start3A_104] : memref<5008xi32, #tpu.memory_space<vmem>> -> memref<5000xi32, #tpu.memory_space<vmem>>
      %dma_start3A_106 = tpu.memref_slice %arg3[%add3A_92] : memref<320000xi32, #tpu.memory_space<hbm>> -> memref<5000xi32, #tpu.memory_space<hbm>>
      %dma_start3A_107 = arith.constant 0 : i32
      %dma_start3A_108 = tpu.memref_slice %arg8[%dma_start3A_107] : memref<5008xi32, #tpu.memory_space<vmem>> -> memref<5000xi32, #tpu.memory_space<vmem>>
      %dma_start3A_109 = tpu.memref_slice %arg3[%add3A_92] : memref<320000xi32, #tpu.memory_space<hbm>> -> memref<5000xi32, #tpu.memory_space<hbm>>
      tpu.enqueue_dma source(%dma_start3A_109 : memref<5000xi32, #tpu.memory_space<hbm>>) target(%dma_start3A_108 : memref<5000xi32, #tpu.memory_space<vmem>>) target_semaphore(%run_scoped3A : memref<!tpu.dma_semaphore, #tpu.memory_space<semaphore_mem>>)
      %dma_wait3A_110 = arith.constant 0 : i32
      %dma_wait3A_111 = tpu.memref_slice %arg8[%dma_wait3A_110] : memref<5008xi32, #tpu.memory_space<vmem>> -> memref<5000xi32, #tpu.memory_space<vmem>>
      %dma_wait3A_112 = tpu.memref_slice %arg3[%add3A_92] : memref<320000xi32, #tpu.memory_space<hbm>> -> memref<5000xi32, #tpu.memory_space<hbm>>
      %dma_wait3A_113 = arith.constant 0 : i32
      %dma_wait3A_114 = tpu.memref_slice %arg8[%dma_wait3A_113] : memref<5008xi32, #tpu.memory_space<vmem>> -> memref<5000xi32, #tpu.memory_space<vmem>>
      %dma_wait3A_115 = tpu.memref_slice %arg3[%add3A_92] : memref<320000xi32, #tpu.memory_space<hbm>> -> memref<5000xi32, #tpu.memory_space<hbm>>
      tpu.wait_dma2 semaphore(%run_scoped3A : memref<!tpu.dma_semaphore, #tpu.memory_space<semaphore_mem>>) src(%dma_wait3A_115 : memref<5000xi32, #tpu.memory_space<hbm>>) dst(%dma_wait3A_114 : memref<5000xi32, #tpu.memory_space<vmem>>)
      tpu.yield
    }) : () -> ()
    %parallel_loop3A = arith.constant 0 : i32
    %parallel_loop3A_93 = arith.constant 625 : i32
    %parallel_loop3A_94 = arith.constant 1 : i32
    scf.for %parallel_loop3A_104 = %parallel_loop3A to %parallel_loop3A_93 step %parallel_loop3A_94  : i32 {
      %parallel_loop3A_105 = arith.constant 0.000000e+00 : f32
      %parallel_loop3A_106 = vector.broadcast %parallel_loop3A_105 : f32 to vector<16xf32>
      %parallel_loop3A_107 = arith.constant 16 : i32
      %parallel_loop3A_108 = arith.muli %parallel_loop3A_104, %parallel_loop3A_107 : i32
      %parallel_loop3A_109 = arith.index_cast %parallel_loop3A_108 : i32 to index
      %parallel_loop3A_110 = tpu.vector_load %arg6[%parallel_loop3A_109] {strides = array<i32>} : memref<10000xf32, #tpu.memory_space<vmem>>, vector<16xf32>,
      tpu.vector_store %arg6[%parallel_loop3A_109], %parallel_loop3A_106 {strides = array<i32>} : memref<10000xf32, #tpu.memory_space<vmem>>, vector<16xf32>,
    } {sc.loop_unroll_factor = 8 : i64, sc.parallel_access}
    %parallel_loop3A_95 = arith.constant 0 : i32
    %parallel_loop3A_96 = arith.constant 313 : i32
    %parallel_loop3A_97 = arith.constant 1 : i32
    scf.for %parallel_loop3A_104 = %parallel_loop3A_95 to %parallel_loop3A_96 step %parallel_loop3A_97  : i32 {
      %parallel_loop3A_105 = arith.constant 16 : i32
      %parallel_loop3A_106 = arith.muli %parallel_loop3A_104, %parallel_loop3A_105 : i32
      %parallel_loop3A_107 = arith.index_cast %parallel_loop3A_106 : i32 to index
      %parallel_loop3A_108 = tpu.vector_load %arg7[%parallel_loop3A_107] {strides = array<i32>} : memref<5008xi32, #tpu.memory_space<vmem>>, vector<16xi32>,
      %parallel_loop3A_109 = arith.index_cast %parallel_loop3A_106 : i32 to index
      %parallel_loop3A_110 = tpu.vector_load %arg8[%parallel_loop3A_109] {strides = array<i32>} : memref<5008xi32, #tpu.memory_space<vmem>>, vector<16xi32>,
      %parallel_loop3A_111 = tpu.vector_load_idx %arg5[%parallel_loop3A_108] : memref<10016xf32, #tpu.memory_space<vmem>>[vector<16xi32>], vector<16xf32>,
      tpu.vector_store_idx %arg6[%parallel_loop3A_110], %parallel_loop3A_111 {add = true} : memref<10000xf32, #tpu.memory_space<vmem>>[vector<16xi32>], vector<16xf32>,
    } {sc.loop_unroll_factor = 16 : i64, sc.parallel_access}
    "tpu.region"() ({
      %run_scoped3A = tpu.sem_alloc : memref<!tpu.dma_semaphore, #tpu.memory_space<semaphore_mem>>
      %dma_start3A_104 = arith.constant 0 : i32
      %dma_start3A_105 = tpu.memref_slice %arg11[%arg1, %dma_start3A_104] : memref<16x10000xf32, #tpu.memory_space<vmem_shared>> -> memref<1x10000xf32, #tpu.memory_space<vmem_shared>>
      %dma_start3A_106 = tpu.memref_squeeze %dma_start3A_105 : memref<1x10000xf32, #tpu.memory_space<vmem_shared>> -> memref<10000xf32, #tpu.memory_space<vmem_shared>>
      %dma_start3A_107 = arith.constant 0 : i32
      %dma_start3A_108 = tpu.memref_slice %arg11[%arg1, %dma_start3A_107] : memref<16x10000xf32, #tpu.memory_space<vmem_shared>> -> memref<1x10000xf32, #tpu.memory_space<vmem_shared>>
      %dma_start3A_109 = tpu.memref_squeeze %dma_start3A_108 : memref<1x10000xf32, #tpu.memory_space<vmem_shared>> -> memref<10000xf32, #tpu.memory_space<vmem_shared>>
      tpu.enqueue_dma source(%arg6 : memref<10000xf32, #tpu.memory_space<vmem>>) target(%dma_start3A_109 : memref<10000xf32, #tpu.memory_space<vmem_shared>>) target_semaphore(%run_scoped3A : memref<!tpu.dma_semaphore, #tpu.memory_space<semaphore_mem>>)
      %dma_wait3A_110 = arith.constant 0 : i32
      %dma_wait3A_111 = tpu.memref_slice %arg11[%arg1, %dma_wait3A_110] : memref<16x10000xf32, #tpu.memory_space<vmem_shared>> -> memref<1x10000xf32, #tpu.memory_space<vmem_shared>>
      %dma_wait3A_112 = tpu.memref_squeeze %dma_wait3A_111 : memref<1x10000xf32, #tpu.memory_space<vmem_shared>> -> memref<10000xf32, #tpu.memory_space<vmem_shared>>
      %dma_wait3A_113 = arith.constant 0 : i32
      %dma_wait3A_114 = tpu.memref_slice %arg11[%arg1, %dma_wait3A_113] : memref<16x10000xf32, #tpu.memory_space<vmem_shared>> -> memref<1x10000xf32, #tpu.memory_space<vmem_shared>>
      %dma_wait3A_115 = tpu.memref_squeeze %dma_wait3A_114 : memref<1x10000xf32, #tpu.memory_space<vmem_shared>> -> memref<10000xf32, #tpu.memory_space<vmem_shared>>
      tpu.wait_dma2 semaphore(%run_scoped3A : memref<!tpu.dma_semaphore, #tpu.memory_space<semaphore_mem>>) src(%arg6 : memref<10000xf32, #tpu.memory_space<vmem>>) dst(%dma_wait3A_115 : memref<10000xf32, #tpu.memory_space<vmem_shared>>)
      tpu.yield
    }) : () -> ()
    %barrier3A = arith.constant 0 : index
    tpu.barrier barrier_id(%barrier3A)
    %lt3A = arith.constant 15 : i32
    %lt3A_98 = arith.cmpi slt, %arg1, %lt3A : i32
    %convert_element_type3A = arith.extui %lt3A_98 : i1 to i32
    %cond3A = arith.constant 0 : i32
    %cond3A_99 = arith.cmpi ne, %convert_element_type3A, %cond3A : i32
    scf.if %cond3A_99 {
      %mul3A_104 = arith.constant 640 : i32
      %mul3A_105 = arith.muli %arg1, %mul3A_104 : i32
      %multiple_of3A_106 = tpu.assume_multiple %mul3A_105, 8 : i32
      "tpu.region"() ({
        %run_scoped3A = tpu.sem_alloc : memref<!tpu.dma_semaphore, #tpu.memory_space<semaphore_mem>>
        %dma_start3A_113 = arith.constant 0 : i32
        %dma_start3A_114 = arith.constant 0 : i32
        %dma_start3A_115 = tpu.memref_slice %arg9[%dma_start3A_113, %dma_start3A_114] : memref<16x640xf32, #tpu.memory_space<vmem>> -> memref<16x640xf32, #tpu.memory_space<vmem>>
        %dma_start3A_116 = arith.constant 0 : i32
        %dma_start3A_117 = tpu.memref_slice %arg11[%dma_start3A_116, %multiple_of3A_106] : memref<16x10000xf32, #tpu.memory_space<vmem_shared>> -> memref<16x640xf32, #tpu.memory_space<vmem_shared>>
        %dma_start3A_118 = arith.constant 0 : i32
        %dma_start3A_119 = arith.constant 0 : i32
        %dma_start3A_120 = tpu.memref_slice %arg9[%dma_start3A_118, %dma_start3A_119] : memref<16x640xf32, #tpu.memory_space<vmem>> -> memref<16x640xf32, #tpu.memory_space<vmem>>
        %dma_start3A_121 = arith.constant 0 : i32
        %dma_start3A_122 = tpu.memref_slice %arg11[%dma_start3A_121, %multiple_of3A_106] : memref<16x10000xf32, #tpu.memory_space<vmem_shared>> -> memref<16x640xf32, #tpu.memory_space<vmem_shared>>
        tpu.enqueue_dma source(%dma_start3A_122 : memref<16x640xf32, #tpu.memory_space<vmem_shared>>) target(%dma_start3A_120 : memref<16x640xf32, #tpu.memory_space<vmem>>) target_semaphore(%run_scoped3A : memref<!tpu.dma_semaphore, #tpu.memory_space<semaphore_mem>>)
        %dma_wait3A_123 = arith.constant 0 : i32
        %dma_wait3A_124 = arith.constant 0 : i32
        %dma_wait3A_125 = tpu.memref_slice %arg9[%dma_wait3A_123, %dma_wait3A_124] : memref<16x640xf32, #tpu.memory_space<vmem>> -> memref<16x640xf32, #tpu.memory_space<vmem>>
        %dma_wait3A_126 = arith.constant 0 : i32
        %dma_wait3A_127 = tpu.memref_slice %arg11[%dma_wait3A_126, %multiple_of3A_106] : memref<16x10000xf32, #tpu.memory_space<vmem_shared>> -> memref<16x640xf32, #tpu.memory_space<vmem_shared>>
        %dma_wait3A_128 = arith.constant 0 : i32
        %dma_wait3A_129 = arith.constant 0 : i32
        %dma_wait3A_130 = tpu.memref_slice %arg9[%dma_wait3A_128, %dma_wait3A_129] : memref<16x640xf32, #tpu.memory_space<vmem>> -> memref<16x640xf32, #tpu.memory_space<vmem>>
        %dma_wait3A_131 = arith.constant 0 : i32
        %dma_wait3A_132 = tpu.memref_slice %arg11[%dma_wait3A_131, %multiple_of3A_106] : memref<16x10000xf32, #tpu.memory_space<vmem_shared>> -> memref<16x640xf32, #tpu.memory_space<vmem_shared>>
        tpu.wait_dma2 semaphore(%run_scoped3A : memref<!tpu.dma_semaphore, #tpu.memory_space<semaphore_mem>>) src(%dma_wait3A_132 : memref<16x640xf32, #tpu.memory_space<vmem_shared>>) dst(%dma_wait3A_130 : memref<16x640xf32, #tpu.memory_space<vmem>>)
        tpu.yield
      }) : () -> ()
      %parallel_loop3A_107 = arith.constant 0 : i32
      %parallel_loop3A_108 = arith.constant 40 : i32
      %parallel_loop3A_109 = arith.constant 1 : i32
      scf.for %parallel_loop3A_113 = %parallel_loop3A_107 to %parallel_loop3A_108 step %parallel_loop3A_109  : i32 {
        %parallel_loop3A_114 = arith.constant 16 : i32
        %parallel_loop3A_115 = arith.muli %parallel_loop3A_113, %parallel_loop3A_114 : i32
        %parallel_loop3A_116 = arith.constant 0 : i32
        %parallel_loop3A_117 = arith.index_cast %parallel_loop3A_116 : i32 to index
        %parallel_loop3A_118 = arith.index_cast %parallel_loop3A_115 : i32 to index
        %parallel_loop3A_119 = tpu.vector_load %arg9[%parallel_loop3A_117, %parallel_loop3A_118] {strides = array<i32>} : memref<16x640xf32, #tpu.memory_space<vmem>>, vector<16xf32>,
        %parallel_loop3A_120 = arith.constant 16 : i32
        %parallel_loop3A_121 = arith.muli %parallel_loop3A_113, %parallel_loop3A_120 : i32
        %parallel_loop3A_122 = arith.constant 1 : i32
        %parallel_loop3A_123 = arith.index_cast %parallel_loop3A_122 : i32 to index
        %parallel_loop3A_124 = arith.index_cast %parallel_loop3A_121 : i32 to index
        %parallel_loop3A_125 = tpu.vector_load %arg9[%parallel_loop3A_123, %parallel_loop3A_124] {strides = array<i32>} : memref<16x640xf32, #tpu.memory_space<vmem>>, vector<16xf32>,
        %parallel_loop3A_126 = arith.addf %parallel_loop3A_119, %parallel_loop3A_125 : vector<16xf32>
        %parallel_loop3A_127 = arith.constant 16 : i32
        %parallel_loop3A_128 = arith.muli %parallel_loop3A_113, %parallel_loop3A_127 : i32
        %parallel_loop3A_129 = arith.constant 2 : i32
        %parallel_loop3A_130 = arith.index_cast %parallel_loop3A_129 : i32 to index
        %parallel_loop3A_131 = arith.index_cast %parallel_loop3A_128 : i32 to index
        %parallel_loop3A_132 = tpu.vector_load %arg9[%parallel_loop3A_130, %parallel_loop3A_131] {strides = array<i32>} : memref<16x640xf32, #tpu.memory_space<vmem>>, vector<16xf32>,
        %parallel_loop3A_133 = arith.addf %parallel_loop3A_126, %parallel_loop3A_132 : vector<16xf32>
        %parallel_loop3A_134 = arith.constant 16 : i32
        %parallel_loop3A_135 = arith.muli %parallel_loop3A_113, %parallel_loop3A_134 : i32
        %parallel_loop3A_136 = arith.constant 3 : i32
        %parallel_loop3A_137 = arith.index_cast %parallel_loop3A_136 : i32 to index
        %parallel_loop3A_138 = arith.index_cast %parallel_loop3A_135 : i32 to index
        %parallel_loop3A_139 = tpu.vector_load %arg9[%parallel_loop3A_137, %parallel_loop3A_138] {strides = array<i32>} : memref<16x640xf32, #tpu.memory_space<vmem>>, vector<16xf32>,
        %parallel_loop3A_140 = arith.addf %parallel_loop3A_133, %parallel_loop3A_139 : vector<16xf32>
        %parallel_loop3A_141 = arith.constant 16 : i32
        %parallel_loop3A_142 = arith.muli %parallel_loop3A_113, %parallel_loop3A_141 : i32
        %parallel_loop3A_143 = arith.constant 4 : i32
        %parallel_loop3A_144 = arith.index_cast %parallel_loop3A_143 : i32 to index
        %parallel_loop3A_145 = arith.index_cast %parallel_loop3A_142 : i32 to index
        %parallel_loop3A_146 = tpu.vector_load %arg9[%parallel_loop3A_144, %parallel_loop3A_145] {strides = array<i32>} : memref<16x640xf32, #tpu.memory_space<vmem>>, vector<16xf32>,
        %parallel_loop3A_147 = arith.addf %parallel_loop3A_140, %parallel_loop3A_146 : vector<16xf32>
        %parallel_loop3A_148 = arith.constant 16 : i32
        %parallel_loop3A_149 = arith.muli %parallel_loop3A_113, %parallel_loop3A_148 : i32
        %parallel_loop3A_150 = arith.constant 5 : i32
        %parallel_loop3A_151 = arith.index_cast %parallel_loop3A_150 : i32 to index
        %parallel_loop3A_152 = arith.index_cast %parallel_loop3A_149 : i32 to index
        %parallel_loop3A_153 = tpu.vector_load %arg9[%parallel_loop3A_151, %parallel_loop3A_152] {strides = array<i32>} : memref<16x640xf32, #tpu.memory_space<vmem>>, vector<16xf32>,
        %parallel_loop3A_154 = arith.addf %parallel_loop3A_147, %parallel_loop3A_153 : vector<16xf32>
        %parallel_loop3A_155 = arith.constant 16 : i32
        %parallel_loop3A_156 = arith.muli %parallel_loop3A_113, %parallel_loop3A_155 : i32
        %parallel_loop3A_157 = arith.constant 6 : i32
        %parallel_loop3A_158 = arith.index_cast %parallel_loop3A_157 : i32 to index
        %parallel_loop3A_159 = arith.index_cast %parallel_loop3A_156 : i32 to index
        %parallel_loop3A_160 = tpu.vector_load %arg9[%parallel_loop3A_158, %parallel_loop3A_159] {strides = array<i32>} : memref<16x640xf32, #tpu.memory_space<vmem>>, vector<16xf32>,
        %parallel_loop3A_161 = arith.addf %parallel_loop3A_154, %parallel_loop3A_160 : vector<16xf32>
        %parallel_loop3A_162 = arith.constant 16 : i32
        %parallel_loop3A_163 = arith.muli %parallel_loop3A_113, %parallel_loop3A_162 : i32
        %parallel_loop3A_164 = arith.constant 7 : i32
        %parallel_loop3A_165 = arith.index_cast %parallel_loop3A_164 : i32 to index
        %parallel_loop3A_166 = arith.index_cast %parallel_loop3A_163 : i32 to index
        %parallel_loop3A_167 = tpu.vector_load %arg9[%parallel_loop3A_165, %parallel_loop3A_166] {strides = array<i32>} : memref<16x640xf32, #tpu.memory_space<vmem>>, vector<16xf32>,
        %parallel_loop3A_168 = arith.addf %parallel_loop3A_161, %parallel_loop3A_167 : vector<16xf32>
        %parallel_loop3A_169 = arith.constant 16 : i32
        %parallel_loop3A_170 = arith.muli %parallel_loop3A_113, %parallel_loop3A_169 : i32
        %parallel_loop3A_171 = arith.constant 8 : i32
        %parallel_loop3A_172 = arith.index_cast %parallel_loop3A_171 : i32 to index
        %parallel_loop3A_173 = arith.index_cast %parallel_loop3A_170 : i32 to index
        %parallel_loop3A_174 = tpu.vector_load %arg9[%parallel_loop3A_172, %parallel_loop3A_173] {strides = array<i32>} : memref<16x640xf32, #tpu.memory_space<vmem>>, vector<16xf32>,
        %parallel_loop3A_175 = arith.addf %parallel_loop3A_168, %parallel_loop3A_174 : vector<16xf32>
        %parallel_loop3A_176 = arith.constant 16 : i32
        %parallel_loop3A_177 = arith.muli %parallel_loop3A_113, %parallel_loop3A_176 : i32
        %parallel_loop3A_178 = arith.constant 9 : i32
        %parallel_loop3A_179 = arith.index_cast %parallel_loop3A_178 : i32 to index
        %parallel_loop3A_180 = arith.index_cast %parallel_loop3A_177 : i32 to index
        %parallel_loop3A_181 = tpu.vector_load %arg9[%parallel_loop3A_179, %parallel_loop3A_180] {strides = array<i32>} : memref<16x640xf32, #tpu.memory_space<vmem>>, vector<16xf32>,
        %parallel_loop3A_182 = arith.addf %parallel_loop3A_175, %parallel_loop3A_181 : vector<16xf32>
        %parallel_loop3A_183 = arith.constant 16 : i32
        %parallel_loop3A_184 = arith.muli %parallel_loop3A_113, %parallel_loop3A_183 : i32
        %parallel_loop3A_185 = arith.constant 10 : i32
        %parallel_loop3A_186 = arith.index_cast %parallel_loop3A_185 : i32 to index
        %parallel_loop3A_187 = arith.index_cast %parallel_loop3A_184 : i32 to index
        %parallel_loop3A_188 = tpu.vector_load %arg9[%parallel_loop3A_186, %parallel_loop3A_187] {strides = array<i32>} : memref<16x640xf32, #tpu.memory_space<vmem>>, vector<16xf32>,
        %parallel_loop3A_189 = arith.addf %parallel_loop3A_182, %parallel_loop3A_188 : vector<16xf32>
        %parallel_loop3A_190 = arith.constant 16 : i32
        %parallel_loop3A_191 = arith.muli %parallel_loop3A_113, %parallel_loop3A_190 : i32
        %parallel_loop3A_192 = arith.constant 11 : i32
        %parallel_loop3A_193 = arith.index_cast %parallel_loop3A_192 : i32 to index
        %parallel_loop3A_194 = arith.index_cast %parallel_loop3A_191 : i32 to index
        %parallel_loop3A_195 = tpu.vector_load %arg9[%parallel_loop3A_193, %parallel_loop3A_194] {strides = array<i32>} : memref<16x640xf32, #tpu.memory_space<vmem>>, vector<16xf32>,
        %parallel_loop3A_196 = arith.addf %parallel_loop3A_189, %parallel_loop3A_195 : vector<16xf32>
        %parallel_loop3A_197 = arith.constant 16 : i32
        %parallel_loop3A_198 = arith.muli %parallel_loop3A_113, %parallel_loop3A_197 : i32
        %parallel_loop3A_199 = arith.constant 12 : i32
        %parallel_loop3A_200 = arith.index_cast %parallel_loop3A_199 : i32 to index
        %parallel_loop3A_201 = arith.index_cast %parallel_loop3A_198 : i32 to index
        %parallel_loop3A_202 = tpu.vector_load %arg9[%parallel_loop3A_200, %parallel_loop3A_201] {strides = array<i32>} : memref<16x640xf32, #tpu.memory_space<vmem>>, vector<16xf32>,
        %parallel_loop3A_203 = arith.addf %parallel_loop3A_196, %parallel_loop3A_202 : vector<16xf32>
        %parallel_loop3A_204 = arith.constant 16 : i32
        %parallel_loop3A_205 = arith.muli %parallel_loop3A_113, %parallel_loop3A_204 : i32
        %parallel_loop3A_206 = arith.constant 13 : i32
        %parallel_loop3A_207 = arith.index_cast %parallel_loop3A_206 : i32 to index
        %parallel_loop3A_208 = arith.index_cast %parallel_loop3A_205 : i32 to index
        %parallel_loop3A_209 = tpu.vector_load %arg9[%parallel_loop3A_207, %parallel_loop3A_208] {strides = array<i32>} : memref<16x640xf32, #tpu.memory_space<vmem>>, vector<16xf32>,
        %parallel_loop3A_210 = arith.addf %parallel_loop3A_203, %parallel_loop3A_209 : vector<16xf32>
        %parallel_loop3A_211 = arith.constant 16 : i32
        %parallel_loop3A_212 = arith.muli %parallel_loop3A_113, %parallel_loop3A_211 : i32
        %parallel_loop3A_213 = arith.constant 14 : i32
        %parallel_loop3A_214 = arith.index_cast %parallel_loop3A_213 : i32 to index
        %parallel_loop3A_215 = arith.index_cast %parallel_loop3A_212 : i32 to index
        %parallel_loop3A_216 = tpu.vector_load %arg9[%parallel_loop3A_214, %parallel_loop3A_215] {strides = array<i32>} : memref<16x640xf32, #tpu.memory_space<vmem>>, vector<16xf32>,
        %parallel_loop3A_217 = arith.addf %parallel_loop3A_210, %parallel_loop3A_216 : vector<16xf32>
        %parallel_loop3A_218 = arith.constant 16 : i32
        %parallel_loop3A_219 = arith.muli %parallel_loop3A_113, %parallel_loop3A_218 : i32
        %parallel_loop3A_220 = arith.constant 15 : i32
        %parallel_loop3A_221 = arith.index_cast %parallel_loop3A_220 : i32 to index
        %parallel_loop3A_222 = arith.index_cast %parallel_loop3A_219 : i32 to index
        %parallel_loop3A_223 = tpu.vector_load %arg9[%parallel_loop3A_221, %parallel_loop3A_222] {strides = array<i32>} : memref<16x640xf32, #tpu.memory_space<vmem>>, vector<16xf32>,
        %parallel_loop3A_224 = arith.addf %parallel_loop3A_217, %parallel_loop3A_223 : vector<16xf32>
        %parallel_loop3A_225 = arith.constant 16 : i32
        %parallel_loop3A_226 = arith.muli %parallel_loop3A_113, %parallel_loop3A_225 : i32
        %parallel_loop3A_227 = arith.index_cast %parallel_loop3A_226 : i32 to index
        %parallel_loop3A_228 = tpu.vector_load %arg10[%parallel_loop3A_227] {strides = array<i32>} : memref<640xf32, #tpu.memory_space<vmem>>, vector<16xf32>,
        tpu.vector_store %arg10[%parallel_loop3A_227], %parallel_loop3A_224 {strides = array<i32>} : memref<640xf32, #tpu.memory_space<vmem>>, vector<16xf32>,
      } {sc.loop_unroll_factor = 2 : i64, sc.parallel_access}
      %mul3A_110 = arith.constant 10000 : i32
      %mul3A_111 = arith.muli %arg0, %mul3A_110 : i32
      %add3A_112 = arith.addi %mul3A_111, %multiple_of3A_106 : i32
      "tpu.region"() ({
        %run_scoped3A = tpu.sem_alloc : memref<!tpu.dma_semaphore, #tpu.memory_space<semaphore_mem>>
        %dma_start3A_113 = arith.constant 0 : i32
        %dma_start3A_114 = tpu.memref_slice %arg10[%dma_start3A_113] : memref<640xf32, #tpu.memory_space<vmem>> -> memref<640xf32, #tpu.memory_space<vmem>>
        %dma_start3A_115 = tpu.memref_slice %arg4[%add3A_112] : memref<20000xf32, #tpu.memory_space<hbm>> -> memref<640xf32, #tpu.memory_space<hbm>>
        %dma_start3A_116 = tpu.memref_slice %arg4[%add3A_112] : memref<20000xf32, #tpu.memory_space<hbm>> -> memref<640xf32, #tpu.memory_space<hbm>>
        %dma_start3A_117 = arith.constant 0 : i32
        %dma_start3A_118 = tpu.memref_slice %arg10[%dma_start3A_117] : memref<640xf32, #tpu.memory_space<vmem>> -> memref<640xf32, #tpu.memory_space<vmem>>
        tpu.enqueue_dma source(%dma_start3A_118 : memref<640xf32, #tpu.memory_space<vmem>>) target(%dma_start3A_116 : memref<640xf32, #tpu.memory_space<hbm>>) target_semaphore(%run_scoped3A : memref<!tpu.dma_semaphore, #tpu.memory_space<semaphore_mem>>)
        %dma_wait3A_119 = arith.constant 0 : i32
        %dma_wait3A_120 = tpu.memref_slice %arg10[%dma_wait3A_119] : memref<640xf32, #tpu.memory_space<vmem>> -> memref<640xf32, #tpu.memory_space<vmem>>
        %dma_wait3A_121 = tpu.memref_slice %arg4[%add3A_112] : memref<20000xf32, #tpu.memory_space<hbm>> -> memref<640xf32, #tpu.memory_space<hbm>>
        %dma_wait3A_122 = tpu.memref_slice %arg4[%add3A_112] : memref<20000xf32, #tpu.memory_space<hbm>> -> memref<640xf32, #tpu.memory_space<hbm>>
        %dma_wait3A_123 = arith.constant 0 : i32
        %dma_wait3A_124 = tpu.memref_slice %arg10[%dma_wait3A_123] : memref<640xf32, #tpu.memory_space<vmem>> -> memref<640xf32, #tpu.memory_space<vmem>>
        tpu.wait_dma2 semaphore(%run_scoped3A : memref<!tpu.dma_semaphore, #tpu.memory_space<semaphore_mem>>) src(%dma_wait3A_124 : memref<640xf32, #tpu.memory_space<vmem>>) dst(%dma_wait3A_122 : memref<640xf32, #tpu.memory_space<hbm>>)
        tpu.yield
      }) : () -> ()
    } else {
    }
    %eq3A = arith.constant 15 : i32
    %eq3A_100 = arith.cmpi eq, %arg1, %eq3A : i32
    %convert_element_type3A_101 = arith.extui %eq3A_100 : i1 to i32
    %cond3A_102 = arith.constant 0 : i32
    %cond3A_103 = arith.cmpi ne, %convert_element_type3A_101, %cond3A_102 : i32
    scf.if %cond3A_103 {
      %mul3A_104 = arith.constant 640 : i32
      %mul3A_105 = arith.muli %arg1, %mul3A_104 : i32
      %multiple_of3A_106 = tpu.assume_multiple %mul3A_105, 8 : i32
      "tpu.region"() ({
        %run_scoped3A = tpu.sem_alloc : memref<!tpu.dma_semaphore, #tpu.memory_space<semaphore_mem>>
        %dma_start3A_113 = arith.constant 0 : i32
        %dma_start3A_114 = arith.constant 0 : i32
        %dma_start3A_115 = tpu.memref_slice %arg9[%dma_start3A_113, %dma_start3A_114] : memref<16x640xf32, #tpu.memory_space<vmem>> -> memref<16x400xf32, #tpu.memory_space<vmem>>
        %dma_start3A_116 = arith.constant 0 : i32
        %dma_start3A_117 = tpu.memref_slice %arg11[%dma_start3A_116, %multiple_of3A_106] : memref<16x10000xf32, #tpu.memory_space<vmem_shared>> -> memref<16x400xf32, #tpu.memory_space<vmem_shared>>
        %dma_start3A_118 = arith.constant 0 : i32
        %dma_start3A_119 = arith.constant 0 : i32
        %dma_start3A_120 = tpu.memref_slice %arg9[%dma_start3A_118, %dma_start3A_119] : memref<16x640xf32, #tpu.memory_space<vmem>> -> memref<16x400xf32, #tpu.memory_space<vmem>>
        %dma_start3A_121 = arith.constant 0 : i32
        %dma_start3A_122 = tpu.memref_slice %arg11[%dma_start3A_121, %multiple_of3A_106] : memref<16x10000xf32, #tpu.memory_space<vmem_shared>> -> memref<16x400xf32, #tpu.memory_space<vmem_shared>>
        tpu.enqueue_dma source(%dma_start3A_122 : memref<16x400xf32, #tpu.memory_space<vmem_shared>>) target(%dma_start3A_120 : memref<16x400xf32, #tpu.memory_space<vmem>>) target_semaphore(%run_scoped3A : memref<!tpu.dma_semaphore, #tpu.memory_space<semaphore_mem>>)
        %dma_wait3A_123 = arith.constant 0 : i32
        %dma_wait3A_124 = arith.constant 0 : i32
        %dma_wait3A_125 = tpu.memref_slice %arg9[%dma_wait3A_123, %dma_wait3A_124] : memref<16x640xf32, #tpu.memory_space<vmem>> -> memref<16x400xf32, #tpu.memory_space<vmem>>
        %dma_wait3A_126 = arith.constant 0 : i32
        %dma_wait3A_127 = tpu.memref_slice %arg11[%dma_wait3A_126, %multiple_of3A_106] : memref<16x10000xf32, #tpu.memory_space<vmem_shared>> -> memref<16x400xf32, #tpu.memory_space<vmem_shared>>
        %dma_wait3A_128 = arith.constant 0 : i32
        %dma_wait3A_129 = arith.constant 0 : i32
        %dma_wait3A_130 = tpu.memref_slice %arg9[%dma_wait3A_128, %dma_wait3A_129] : memref<16x640xf32, #tpu.memory_space<vmem>> -> memref<16x400xf32, #tpu.memory_space<vmem>>
        %dma_wait3A_131 = arith.constant 0 : i32
        %dma_wait3A_132 = tpu.memref_slice %arg11[%dma_wait3A_131, %multiple_of3A_106] : memref<16x10000xf32, #tpu.memory_space<vmem_shared>> -> memref<16x400xf32, #tpu.memory_space<vmem_shared>>
        tpu.wait_dma2 semaphore(%run_scoped3A : memref<!tpu.dma_semaphore, #tpu.memory_space<semaphore_mem>>) src(%dma_wait3A_132 : memref<16x400xf32, #tpu.memory_space<vmem_shared>>) dst(%dma_wait3A_130 : memref<16x400xf32, #tpu.memory_space<vmem>>)
        tpu.yield
      }) : () -> ()
      %parallel_loop3A_107 = arith.constant 0 : i32
      %parallel_loop3A_108 = arith.constant 25 : i32
      %parallel_loop3A_109 = arith.constant 1 : i32
      scf.for %parallel_loop3A_113 = %parallel_loop3A_107 to %parallel_loop3A_108 step %parallel_loop3A_109  : i32 {
        %parallel_loop3A_114 = arith.constant 16 : i32
        %parallel_loop3A_115 = arith.muli %parallel_loop3A_113, %parallel_loop3A_114 : i32
        %parallel_loop3A_116 = arith.constant 0 : i32
        %parallel_loop3A_117 = arith.index_cast %parallel_loop3A_116 : i32 to index
        %parallel_loop3A_118 = arith.index_cast %parallel_loop3A_115 : i32 to index
        %parallel_loop3A_119 = tpu.vector_load %arg9[%parallel_loop3A_117, %parallel_loop3A_118] {strides = array<i32>} : memref<16x640xf32, #tpu.memory_space<vmem>>, vector<16xf32>,
        %parallel_loop3A_120 = arith.constant 16 : i32
        %parallel_loop3A_121 = arith.muli %parallel_loop3A_113, %parallel_loop3A_120 : i32
        %parallel_loop3A_122 = arith.constant 1 : i32
        %parallel_loop3A_123 = arith.index_cast %parallel_loop3A_122 : i32 to index
        %parallel_loop3A_124 = arith.index_cast %parallel_loop3A_121 : i32 to index
        %parallel_loop3A_125 = tpu.vector_load %arg9[%parallel_loop3A_123, %parallel_loop3A_124] {strides = array<i32>} : memref<16x640xf32, #tpu.memory_space<vmem>>, vector<16xf32>,
        %parallel_loop3A_126 = arith.addf %parallel_loop3A_119, %parallel_loop3A_125 : vector<16xf32>
        %parallel_loop3A_127 = arith.constant 16 : i32
        %parallel_loop3A_128 = arith.muli %parallel_loop3A_113, %parallel_loop3A_127 : i32
        %parallel_loop3A_129 = arith.constant 2 : i32
        %parallel_loop3A_130 = arith.index_cast %parallel_loop3A_129 : i32 to index
        %parallel_loop3A_131 = arith.index_cast %parallel_loop3A_128 : i32 to index
        %parallel_loop3A_132 = tpu.vector_load %arg9[%parallel_loop3A_130, %parallel_loop3A_131] {strides = array<i32>} : memref<16x640xf32, #tpu.memory_space<vmem>>, vector<16xf32>,
        %parallel_loop3A_133 = arith.addf %parallel_loop3A_126, %parallel_loop3A_132 : vector<16xf32>
        %parallel_loop3A_134 = arith.constant 16 : i32
        %parallel_loop3A_135 = arith.muli %parallel_loop3A_113, %parallel_loop3A_134 : i32
        %parallel_loop3A_136 = arith.constant 3 : i32
        %parallel_loop3A_137 = arith.index_cast %parallel_loop3A_136 : i32 to index
        %parallel_loop3A_138 = arith.index_cast %parallel_loop3A_135 : i32 to index
        %parallel_loop3A_139 = tpu.vector_load %arg9[%parallel_loop3A_137, %parallel_loop3A_138] {strides = array<i32>} : memref<16x640xf32, #tpu.memory_space<vmem>>, vector<16xf32>,
        %parallel_loop3A_140 = arith.addf %parallel_loop3A_133, %parallel_loop3A_139 : vector<16xf32>
        %parallel_loop3A_141 = arith.constant 16 : i32
        %parallel_loop3A_142 = arith.muli %parallel_loop3A_113, %parallel_loop3A_141 : i32
        %parallel_loop3A_143 = arith.constant 4 : i32
        %parallel_loop3A_144 = arith.index_cast %parallel_loop3A_143 : i32 to index
        %parallel_loop3A_145 = arith.index_cast %parallel_loop3A_142 : i32 to index
        %parallel_loop3A_146 = tpu.vector_load %arg9[%parallel_loop3A_144, %parallel_loop3A_145] {strides = array<i32>} : memref<16x640xf32, #tpu.memory_space<vmem>>, vector<16xf32>,
        %parallel_loop3A_147 = arith.addf %parallel_loop3A_140, %parallel_loop3A_146 : vector<16xf32>
        %parallel_loop3A_148 = arith.constant 16 : i32
        %parallel_loop3A_149 = arith.muli %parallel_loop3A_113, %parallel_loop3A_148 : i32
        %parallel_loop3A_150 = arith.constant 5 : i32
        %parallel_loop3A_151 = arith.index_cast %parallel_loop3A_150 : i32 to index
        %parallel_loop3A_152 = arith.index_cast %parallel_loop3A_149 : i32 to index
        %parallel_loop3A_153 = tpu.vector_load %arg9[%parallel_loop3A_151, %parallel_loop3A_152] {strides = array<i32>} : memref<16x640xf32, #tpu.memory_space<vmem>>, vector<16xf32>,
        %parallel_loop3A_154 = arith.addf %parallel_loop3A_147, %parallel_loop3A_153 : vector<16xf32>
        %parallel_loop3A_155 = arith.constant 16 : i32
        %parallel_loop3A_156 = arith.muli %parallel_loop3A_113, %parallel_loop3A_155 : i32
        %parallel_loop3A_157 = arith.constant 6 : i32
        %parallel_loop3A_158 = arith.index_cast %parallel_loop3A_157 : i32 to index
        %parallel_loop3A_159 = arith.index_cast %parallel_loop3A_156 : i32 to index
        %parallel_loop3A_160 = tpu.vector_load %arg9[%parallel_loop3A_158, %parallel_loop3A_159] {strides = array<i32>} : memref<16x640xf32, #tpu.memory_space<vmem>>, vector<16xf32>,
        %parallel_loop3A_161 = arith.addf %parallel_loop3A_154, %parallel_loop3A_160 : vector<16xf32>
        %parallel_loop3A_162 = arith.constant 16 : i32
        %parallel_loop3A_163 = arith.muli %parallel_loop3A_113, %parallel_loop3A_162 : i32
        %parallel_loop3A_164 = arith.constant 7 : i32
        %parallel_loop3A_165 = arith.index_cast %parallel_loop3A_164 : i32 to index
        %parallel_loop3A_166 = arith.index_cast %parallel_loop3A_163 : i32 to index
        %parallel_loop3A_167 = tpu.vector_load %arg9[%parallel_loop3A_165, %parallel_loop3A_166] {strides = array<i32>} : memref<16x640xf32, #tpu.memory_space<vmem>>, vector<16xf32>,
        %parallel_loop3A_168 = arith.addf %parallel_loop3A_161, %parallel_loop3A_167 : vector<16xf32>
        %parallel_loop3A_169 = arith.constant 16 : i32
        %parallel_loop3A_170 = arith.muli %parallel_loop3A_113, %parallel_loop3A_169 : i32
        %parallel_loop3A_171 = arith.constant 8 : i32
        %parallel_loop3A_172 = arith.index_cast %parallel_loop3A_171 : i32 to index
        %parallel_loop3A_173 = arith.index_cast %parallel_loop3A_170 : i32 to index
        %parallel_loop3A_174 = tpu.vector_load %arg9[%parallel_loop3A_172, %parallel_loop3A_173] {strides = array<i32>} : memref<16x640xf32, #tpu.memory_space<vmem>>, vector<16xf32>,
        %parallel_loop3A_175 = arith.addf %parallel_loop3A_168, %parallel_loop3A_174 : vector<16xf32>
        %parallel_loop3A_176 = arith.constant 16 : i32
        %parallel_loop3A_177 = arith.muli %parallel_loop3A_113, %parallel_loop3A_176 : i32
        %parallel_loop3A_178 = arith.constant 9 : i32
        %parallel_loop3A_179 = arith.index_cast %parallel_loop3A_178 : i32 to index
        %parallel_loop3A_180 = arith.index_cast %parallel_loop3A_177 : i32 to index
        %parallel_loop3A_181 = tpu.vector_load %arg9[%parallel_loop3A_179, %parallel_loop3A_180] {strides = array<i32>} : memref<16x640xf32, #tpu.memory_space<vmem>>, vector<16xf32>,
        %parallel_loop3A_182 = arith.addf %parallel_loop3A_175, %parallel_loop3A_181 : vector<16xf32>
        %parallel_loop3A_183 = arith.constant 16 : i32
        %parallel_loop3A_184 = arith.muli %parallel_loop3A_113, %parallel_loop3A_183 : i32
        %parallel_loop3A_185 = arith.constant 10 : i32
        %parallel_loop3A_186 = arith.index_cast %parallel_loop3A_185 : i32 to index
        %parallel_loop3A_187 = arith.index_cast %parallel_loop3A_184 : i32 to index
        %parallel_loop3A_188 = tpu.vector_load %arg9[%parallel_loop3A_186, %parallel_loop3A_187] {strides = array<i32>} : memref<16x640xf32, #tpu.memory_space<vmem>>, vector<16xf32>,
        %parallel_loop3A_189 = arith.addf %parallel_loop3A_182, %parallel_loop3A_188 : vector<16xf32>
        %parallel_loop3A_190 = arith.constant 16 : i32
        %parallel_loop3A_191 = arith.muli %parallel_loop3A_113, %parallel_loop3A_190 : i32
        %parallel_loop3A_192 = arith.constant 11 : i32
        %parallel_loop3A_193 = arith.index_cast %parallel_loop3A_192 : i32 to index
        %parallel_loop3A_194 = arith.index_cast %parallel_loop3A_191 : i32 to index
        %parallel_loop3A_195 = tpu.vector_load %arg9[%parallel_loop3A_193, %parallel_loop3A_194] {strides = array<i32>} : memref<16x640xf32, #tpu.memory_space<vmem>>, vector<16xf32>,
        %parallel_loop3A_196 = arith.addf %parallel_loop3A_189, %parallel_loop3A_195 : vector<16xf32>
        %parallel_loop3A_197 = arith.constant 16 : i32
        %parallel_loop3A_198 = arith.muli %parallel_loop3A_113, %parallel_loop3A_197 : i32
        %parallel_loop3A_199 = arith.constant 12 : i32
        %parallel_loop3A_200 = arith.index_cast %parallel_loop3A_199 : i32 to index
        %parallel_loop3A_201 = arith.index_cast %parallel_loop3A_198 : i32 to index
        %parallel_loop3A_202 = tpu.vector_load %arg9[%parallel_loop3A_200, %parallel_loop3A_201] {strides = array<i32>} : memref<16x640xf32, #tpu.memory_space<vmem>>, vector<16xf32>,
        %parallel_loop3A_203 = arith.addf %parallel_loop3A_196, %parallel_loop3A_202 : vector<16xf32>
        %parallel_loop3A_204 = arith.constant 16 : i32
        %parallel_loop3A_205 = arith.muli %parallel_loop3A_113, %parallel_loop3A_204 : i32
        %parallel_loop3A_206 = arith.constant 13 : i32
        %parallel_loop3A_207 = arith.index_cast %parallel_loop3A_206 : i32 to index
        %parallel_loop3A_208 = arith.index_cast %parallel_loop3A_205 : i32 to index
        %parallel_loop3A_209 = tpu.vector_load %arg9[%parallel_loop3A_207, %parallel_loop3A_208] {strides = array<i32>} : memref<16x640xf32, #tpu.memory_space<vmem>>, vector<16xf32>,
        %parallel_loop3A_210 = arith.addf %parallel_loop3A_203, %parallel_loop3A_209 : vector<16xf32>
        %parallel_loop3A_211 = arith.constant 16 : i32
        %parallel_loop3A_212 = arith.muli %parallel_loop3A_113, %parallel_loop3A_211 : i32
        %parallel_loop3A_213 = arith.constant 14 : i32
        %parallel_loop3A_214 = arith.index_cast %parallel_loop3A_213 : i32 to index
        %parallel_loop3A_215 = arith.index_cast %parallel_loop3A_212 : i32 to index
        %parallel_loop3A_216 = tpu.vector_load %arg9[%parallel_loop3A_214, %parallel_loop3A_215] {strides = array<i32>} : memref<16x640xf32, #tpu.memory_space<vmem>>, vector<16xf32>,
        %parallel_loop3A_217 = arith.addf %parallel_loop3A_210, %parallel_loop3A_216 : vector<16xf32>
        %parallel_loop3A_218 = arith.constant 16 : i32
        %parallel_loop3A_219 = arith.muli %parallel_loop3A_113, %parallel_loop3A_218 : i32
        %parallel_loop3A_220 = arith.constant 15 : i32
        %parallel_loop3A_221 = arith.index_cast %parallel_loop3A_220 : i32 to index
        %parallel_loop3A_222 = arith.index_cast %parallel_loop3A_219 : i32 to index
        %parallel_loop3A_223 = tpu.vector_load %arg9[%parallel_loop3A_221, %parallel_loop3A_222] {strides = array<i32>} : memref<16x640xf32, #tpu.memory_space<vmem>>, vector<16xf32>,
        %parallel_loop3A_224 = arith.addf %parallel_loop3A_217, %parallel_loop3A_223 : vector<16xf32>
        %parallel_loop3A_225 = arith.constant 16 : i32
        %parallel_loop3A_226 = arith.muli %parallel_loop3A_113, %parallel_loop3A_225 : i32
        %parallel_loop3A_227 = arith.index_cast %parallel_loop3A_226 : i32 to index
        %parallel_loop3A_228 = tpu.vector_load %arg10[%parallel_loop3A_227] {strides = array<i32>} : memref<640xf32, #tpu.memory_space<vmem>>, vector<16xf32>,
        tpu.vector_store %arg10[%parallel_loop3A_227], %parallel_loop3A_224 {strides = array<i32>} : memref<640xf32, #tpu.memory_space<vmem>>, vector<16xf32>,
      } {sc.loop_unroll_factor = 2 : i64, sc.parallel_access}
      %mul3A_110 = arith.constant 10000 : i32
      %mul3A_111 = arith.muli %arg0, %mul3A_110 : i32
      %add3A_112 = arith.addi %mul3A_111, %multiple_of3A_106 : i32
      "tpu.region"() ({
        %run_scoped3A = tpu.sem_alloc : memref<!tpu.dma_semaphore, #tpu.memory_space<semaphore_mem>>
        %dma_start3A_113 = arith.constant 0 : i32
        %dma_start3A_114 = tpu.memref_slice %arg10[%dma_start3A_113] : memref<640xf32, #tpu.memory_space<vmem>> -> memref<400xf32, #tpu.memory_space<vmem>>
        %dma_start3A_115 = tpu.memref_slice %arg4[%add3A_112] : memref<20000xf32, #tpu.memory_space<hbm>> -> memref<400xf32, #tpu.memory_space<hbm>>
        %dma_start3A_116 = tpu.memref_slice %arg4[%add3A_112] : memref<20000xf32, #tpu.memory_space<hbm>> -> memref<400xf32, #tpu.memory_space<hbm>>
        %dma_start3A_117 = arith.constant 0 : i32
        %dma_start3A_118 = tpu.memref_slice %arg10[%dma_start3A_117] : memref<640xf32, #tpu.memory_space<vmem>> -> memref<400xf32, #tpu.memory_space<vmem>>
        tpu.enqueue_dma source(%dma_start3A_118 : memref<400xf32, #tpu.memory_space<vmem>>) target(%dma_start3A_116 : memref<400xf32, #tpu.memory_space<hbm>>) target_semaphore(%run_scoped3A : memref<!tpu.dma_semaphore, #tpu.memory_space<semaphore_mem>>)
        %dma_wait3A_119 = arith.constant 0 : i32
        %dma_wait3A_120 = tpu.memref_slice %arg10[%dma_wait3A_119] : memref<640xf32, #tpu.memory_space<vmem>> -> memref<400xf32, #tpu.memory_space<vmem>>
        %dma_wait3A_121 = tpu.memref_slice %arg4[%add3A_112] : memref<20000xf32, #tpu.memory_space<hbm>> -> memref<400xf32, #tpu.memory_space<hbm>>
        %dma_wait3A_122 = tpu.memref_slice %arg4[%add3A_112] : memref<20000xf32, #tpu.memory_space<hbm>> -> memref<400xf32, #tpu.memory_space<hbm>>
        %dma_wait3A_123 = arith.constant 0 : i32
        %dma_wait3A_124 = tpu.memref_slice %arg10[%dma_wait3A_123] : memref<640xf32, #tpu.memory_space<vmem>> -> memref<400xf32, #tpu.memory_space<vmem>>
        tpu.wait_dma2 semaphore(%run_scoped3A : memref<!tpu.dma_semaphore, #tpu.memory_space<semaphore_mem>>) src(%dma_wait3A_124 : memref<400xf32, #tpu.memory_space<vmem>>) dst(%dma_wait3A_122 : memref<400xf32, #tpu.memory_space<hbm>>)
        tpu.yield
      }) : () -> ()
    } else {
    }
    return
  }
}

module attributes {stable_mosaic.version = 14 : i64} {
  func.func @body(%arg0: i32, %arg1: memref<1x256xf32, #tpu.memory_space<vmem>>, %arg2: memref<1x256xf32, #tpu.memory_space<vmem>>, %arg3: memref<2000x256xf32, #tpu.memory_space<vmem>>, %arg4: memref<320000xi32, #tpu.memory_space<any>>, %arg5: memref<1x1x2048xf32, #tpu.memory_space<vmem>>, %arg6: memref<1x1x2000xf32, #tpu.memory_space<vmem>>) attributes {dimension_semantics = [#tpu.dimension_semantics<arbitrary>], iteration_bounds = array<i64: 5>, scalar_prefetch = 0 : i64, scratch_operands = 0 : i64, tpu.core_type = #tpu.core_type<tc>, window_params = [{pipeline_mode = #tpu.pipeline_mode<synchronous>, transform_indices = @transform_0, window_bounds = array<i64: 1, 256>}, {pipeline_mode = #tpu.pipeline_mode<synchronous>, transform_indices = @transform_1, window_bounds = array<i64: 1, 256>}, {transform_indices = @transform_2, window_bounds = array<i64: 2000, 256>}, {}, {transform_indices = @transform_4, window_bounds = array<i64: 1, 1, 2048>}, {transform_indices = @transform_5, window_bounds = array<i64: 1, 1, 2000>}]} {
    %get3A = arith.constant 0 : index
    %get3A_0 = arith.constant 0 : index
    %get3A_1 = vector.load %arg1[%get3A, %get3A_0] : memref<1x256xf32, #tpu.memory_space<vmem>>, vector<1x256xf32>
    %get3A_2 = arith.constant 0 : index
    %get3A_3 = arith.constant 0 : index
    %get3A_4 = vector.load %arg2[%get3A_2, %get3A_3] : memref<1x256xf32, #tpu.memory_space<vmem>>, vector<1x256xf32>
    %concatenate3A = tpu.concatenate %get3A_1, %get3A_4 in 0 : vector<1x256xf32>, vector<1x256xf32> -> vector<2x256xf32>
    %get3A_5 = arith.constant 0 : index
    %get3A_6 = arith.constant 0 : index
    %get3A_7 = vector.load %arg3[%get3A_5, %get3A_6] : memref<2000x256xf32, #tpu.memory_space<vmem>>, vector<2000x256xf32>
    %dot_general3A = arith.constant dense<0.000000e+00> : vector<2x2000xf32>
    %dot_general3A_8 = tpu.matmul %concatenate3A, %get3A_7, %dot_general3A {dimension_numbers = #tpu.dot_dimension_numbers<[1], [1], [0], [0], [0, 0, 1, 0], [], []>, precision = #tpu.contract_precision<fp32>, transpose_lhs_hint = false} : vector<2x256xf32>, vector<2000x256xf32>, vector<2x2000xf32> -> vector<2x2000xf32>
    %slice3A = vector.extract_strided_slice %dot_general3A_8 {offsets = [0, 0], sizes = [1, 2000], strides = [1, 1]} : vector<2x2000xf32> to vector<1x2000xf32>
    %broadcast_in_dim3A = arith.constant 0.000000e+00 : f32
    %broadcast_in_dim3A_9 = vector.broadcast %broadcast_in_dim3A : f32 to vector<1x48xf32>
    %concatenate3A_10 = tpu.concatenate %slice3A, %broadcast_in_dim3A_9 in 1 : vector<1x2000xf32>, vector<1x48xf32> -> vector<1x2048xf32>
    %reshape3A = vector.shape_cast %concatenate3A_10 : vector<1x2048xf32> to vector<1x1x2048xf32>
    %swap3A = arith.constant 0 : index
    %swap3A_11 = arith.constant 0 : index
    %swap3A_12 = arith.constant 0 : index
    %swap3A_13 = vector.load %arg5[%swap3A, %swap3A_11, %swap3A_12] : memref<1x1x2048xf32, #tpu.memory_space<vmem>>, vector<1x1x2048xf32>
    tpu.vector_store %arg5[%swap3A, %swap3A_11, %swap3A_12], %reshape3A {strides = array<i32>} : memref<1x1x2048xf32, #tpu.memory_space<vmem>>, vector<1x1x2048xf32>,
    %slice3A_14 = vector.extract_strided_slice %dot_general3A_8 {offsets = [1, 0], sizes = [1, 2000], strides = [1, 1]} : vector<2x2000xf32> to vector<1x2000xf32>
    %reshape3A_15 = vector.shape_cast %slice3A_14 : vector<1x2000xf32> to vector<1x1x2000xf32>
    %swap3A_16 = arith.constant 0 : index
    %swap3A_17 = arith.constant 0 : index
    %swap3A_18 = arith.constant 0 : index
    %swap3A_19 = vector.load %arg6[%swap3A_16, %swap3A_17, %swap3A_18] : memref<1x1x2000xf32, #tpu.memory_space<vmem>>, vector<1x1x2000xf32>
    tpu.vector_store %arg6[%swap3A_16, %swap3A_17, %swap3A_18], %reshape3A_15 {strides = array<i32>} : memref<1x1x2000xf32, #tpu.memory_space<vmem>>, vector<1x1x2000xf32>,
    return
  }
  func.func @transform_0(%arg0: i32) -> (i32, i32) {
    %c0_i32 = arith.constant 0 : i32
    %c0_i32_0 = arith.constant 0 : i32
    %c0_i32_1 = arith.constant 0 : i32
    return %c0_i32, %c0_i32_0 : i32, i32
  }
  func.func @transform_1(%arg0: i32) -> (i32, i32) {
    %c0_i32 = arith.constant 0 : i32
    %c0_i32_0 = arith.constant 0 : i32
    %c0_i32_1 = arith.constant 0 : i32
    return %c0_i32, %c0_i32_0 : i32, i32
  }
  func.func @transform_2(%arg0: i32) -> (i32, i32) {
    %c0_i32 = arith.constant 0 : i32
    %c0_i32_0 = arith.constant 0 : i32
    return %arg0, %c0_i32 : i32, i32
  }
  func.func @transform_4(%arg0: i32) -> (i32, i32, i32) {
    %c0_i32 = arith.constant 0 : i32
    %c0_i32_0 = arith.constant 0 : i32
    %c0_i32_1 = arith.constant 0 : i32
    return %arg0, %c0_i32, %c0_i32_0 : i32, i32, i32
  }
  func.func @transform_5(%arg0: i32) -> (i32, i32, i32) {
    %c0_i32 = arith.constant 0 : i32
    %c0_i32_0 = arith.constant 0 : i32
    %c0_i32_1 = arith.constant 0 : i32
    return %arg0, %c0_i32, %c0_i32_0 : i32, i32, i32
  }
}

module attributes {stable_mosaic.version = 14 : i64} {
  func.func @body(%arg0: i32, %arg1: memref<20000xf32, #tpu.memory_space<vmem>>, %arg2: memref<5x1x2000xf32, #tpu.memory_space<vmem>>, %arg3: memref<5x1x2000xi32, #tpu.memory_space<vmem>>, %arg4: memref<1x1xf32, #tpu.memory_space<vmem>>, %arg5: memref<2000x256xf32, #tpu.memory_space<vmem>>, %arg6: memref<64x256xf32, #tpu.memory_space<vmem>>, %arg7: memref<5x1x2000xf32, #tpu.memory_space<vmem>>, %arg8: memref<5x1x2000xf32, #tpu.memory_space<vmem>>) attributes {dimension_semantics = [#tpu.dimension_semantics<arbitrary>], iteration_bounds = array<i64: 5>, scalar_prefetch = 0 : i64, scratch_operands = 2 : i64, tpu.core_type = #tpu.core_type<tc>, window_params = [{pipeline_mode = #tpu.pipeline_mode<synchronous>, transform_indices = @transform_0, window_bounds = array<i64: 20000>}, {pipeline_mode = #tpu.pipeline_mode<synchronous>, transform_indices = @transform_1, window_bounds = array<i64: 5, 1, 2000>}, {pipeline_mode = #tpu.pipeline_mode<synchronous>, transform_indices = @transform_2, window_bounds = array<i64: 5, 1, 2000>}, {pipeline_mode = #tpu.pipeline_mode<synchronous>, transform_indices = @transform_3, window_bounds = array<i64: 1, 1>}, {transform_indices = @transform_4, window_bounds = array<i64: 2000, 256>}, {pipeline_mode = #tpu.pipeline_mode<synchronous>, transform_indices = @transform_5, window_bounds = array<i64: 64, 256>}]} {
    %eq3A = arith.constant 0 : i32
    %eq3A_0 = arith.cmpi eq, %arg0, %eq3A : i32
    %convert_element_type3A = arith.extui %eq3A_0 : i1 to i32
    %cond3A = arith.constant -1.000000e+30 : f32
    %cond3A_1 = arith.constant 0 : i32
    %cond3A_2 = arith.cmpi ne, %convert_element_type3A, %cond3A_1 : i32
    scf.if %cond3A_2 {
      %broadcast_in_dim3A = vector.broadcast %cond3A : f32 to vector<64x1xf32>
      %get3A_26 = arith.constant 0 : index
      %get3A_27 = vector.load %arg1[%get3A_26] : memref<20000xf32, #tpu.memory_space<vmem>>, vector<20000xf32>
      %slice3A = vector.extract_strided_slice %get3A_27 {offsets = [0], sizes = [10000], strides = [1]} : vector<20000xf32> to vector<10000xf32>
      %slice3A_28 = vector.extract_strided_slice %get3A_27 {offsets = [10000], sizes = [10000], strides = [1]} : vector<20000xf32> to vector<10000xf32>
      %add3A_29 = arith.addf %slice3A, %slice3A_28 : vector<10000xf32>
      %slice3A_30 = vector.extract_strided_slice %add3A_29 {offsets = [0], sizes = [2000], strides = [1]} : vector<10000xf32> to vector<2000xf32>
      %reshape3A = vector.shape_cast %slice3A_30 : vector<2000xf32> to vector<1x2000xf32>
      %get3A_31 = arith.constant 0 : index
      %get3A_32 = arith.constant 0 : index
      %get3A_33 = arith.constant 0 : index
      %get3A_34 = vector.load %arg2[%get3A_31, %get3A_32, %get3A_33] : memref<5x1x2000xf32, #tpu.memory_space<vmem>>, vector<1x1x2000xf32>
      %get3A_35 = vector.shape_cast %get3A_34 : vector<1x1x2000xf32> to vector<1x2000xf32>
      %add3A_36 = arith.addf %reshape3A, %get3A_35 : vector<1x2000xf32>
      %get3A_37 = arith.constant 0 : index
      %get3A_38 = arith.constant 0 : index
      %get3A_39 = vector.load %arg4[%get3A_37, %get3A_38] : memref<1x1xf32, #tpu.memory_space<vmem>>, vector<1x1xf32>
      %get3A_40 = vector.extract %get3A_39[0, 0] : f32 from vector<1x1xf32>
      %add3A_41 = vector.broadcast %get3A_40 : f32 to vector<1x2000xf32>
      %add3A_42 = arith.addf %add3A_36, %add3A_41 : vector<1x2000xf32>
      %swap3A_43 = arith.constant 0 : index
      %swap3A_44 = arith.constant 0 : index
      %swap3A_45 = arith.constant 0 : index
      %swap3A_46 = vector.load %arg7[%swap3A_43, %swap3A_44, %swap3A_45] : memref<5x1x2000xf32, #tpu.memory_space<vmem>>, vector<1x1x2000xf32>
      %swap3A_47 = vector.shape_cast %swap3A_46 : vector<1x1x2000xf32> to vector<1x2000xf32>
      %swap3A_48 = vector.shape_cast %add3A_42 : vector<1x2000xf32> to vector<1x1x2000xf32>
      tpu.vector_store %arg7[%swap3A_43, %swap3A_44, %swap3A_45], %swap3A_48 {strides = array<i32>} : memref<5x1x2000xf32, #tpu.memory_space<vmem>>, vector<1x1x2000xf32>,
      %get3A_49 = arith.constant 0 : index
      %get3A_50 = arith.constant 0 : index
      %get3A_51 = arith.constant 0 : index
      %get3A_52 = vector.load %arg3[%get3A_49, %get3A_50, %get3A_51] : memref<5x1x2000xi32, #tpu.memory_space<vmem>>, vector<1x1x2000xi32>
      %get3A_53 = vector.shape_cast %get3A_52 : vector<1x1x2000xi32> to vector<1x2000xi32>
      %iota3A_54 = tpu.iota {dimensions = array<i32: 0>} : vector<64x2000xi32>
      %eq3A_55 = vector.broadcast %get3A_53 : vector<1x2000xi32> to vector<64x2000xi32>
      %eq3A_56 = arith.cmpi eq, %eq3A_55, %iota3A_54 : vector<64x2000xi32>
      %broadcast_in_dim3A_57 = vector.shape_cast %add3A_42 : vector<1x2000xf32> to vector<1x2000xf32>
      %broadcast_in_dim3A_58 = vector.broadcast %broadcast_in_dim3A_57 : vector<1x2000xf32> to vector<64x2000xf32>
      %broadcast_in_dim3A_59 = vector.broadcast %cond3A : f32 to vector<64x2000xf32>
      %select_n3A = arith.select %eq3A_56, %broadcast_in_dim3A_58, %broadcast_in_dim3A_59 : vector<64x2000xi1>, vector<64x2000xf32>
      %reduce_max3A = arith.constant dense<0xFF800000> : vector<64xf32>
      %reduce_max3A_60 = vector.multi_reduction <maximumf>, %select_n3A, %reduce_max3A [1] : vector<64x2000xf32> to vector<64xf32>
      %broadcast_in_dim3A_61 = vector.shape_cast %reduce_max3A_60 : vector<64xf32> to vector<64x1xf32>
      %max3A = arith.maximumf %broadcast_in_dim3A, %broadcast_in_dim3A_61 : vector<64x1xf32>
      %slice3A_62 = vector.extract_strided_slice %add3A_29 {offsets = [2000], sizes = [2000], strides = [1]} : vector<10000xf32> to vector<2000xf32>
      %reshape3A_63 = vector.shape_cast %slice3A_62 : vector<2000xf32> to vector<1x2000xf32>
      %get3A_64 = arith.constant 1 : index
      %get3A_65 = arith.constant 0 : index
      %get3A_66 = arith.constant 0 : index
      %get3A_67 = vector.load %arg2[%get3A_64, %get3A_65, %get3A_66] : memref<5x1x2000xf32, #tpu.memory_space<vmem>>, vector<1x1x2000xf32>
      %get3A_68 = vector.shape_cast %get3A_67 : vector<1x1x2000xf32> to vector<1x2000xf32>
      %add3A_69 = arith.addf %reshape3A_63, %get3A_68 : vector<1x2000xf32>
      %get3A_70 = arith.constant 0 : index
      %get3A_71 = arith.constant 0 : index
      %get3A_72 = vector.load %arg4[%get3A_70, %get3A_71] : memref<1x1xf32, #tpu.memory_space<vmem>>, vector<1x1xf32>
      %get3A_73 = vector.extract %get3A_72[0, 0] : f32 from vector<1x1xf32>
      %add3A_74 = vector.broadcast %get3A_73 : f32 to vector<1x2000xf32>
      %add3A_75 = arith.addf %add3A_69, %add3A_74 : vector<1x2000xf32>
      %swap3A_76 = arith.constant 1 : index
      %swap3A_77 = arith.constant 0 : index
      %swap3A_78 = arith.constant 0 : index
      %swap3A_79 = vector.load %arg7[%swap3A_76, %swap3A_77, %swap3A_78] : memref<5x1x2000xf32, #tpu.memory_space<vmem>>, vector<1x1x2000xf32>
      %swap3A_80 = vector.shape_cast %swap3A_79 : vector<1x1x2000xf32> to vector<1x2000xf32>
      %swap3A_81 = vector.shape_cast %add3A_75 : vector<1x2000xf32> to vector<1x1x2000xf32>
      tpu.vector_store %arg7[%swap3A_76, %swap3A_77, %swap3A_78], %swap3A_81 {strides = array<i32>} : memref<5x1x2000xf32, #tpu.memory_space<vmem>>, vector<1x1x2000xf32>,
      %get3A_82 = arith.constant 1 : index
      %get3A_83 = arith.constant 0 : index
      %get3A_84 = arith.constant 0 : index
      %get3A_85 = vector.load %arg3[%get3A_82, %get3A_83, %get3A_84] : memref<5x1x2000xi32, #tpu.memory_space<vmem>>, vector<1x1x2000xi32>
      %get3A_86 = vector.shape_cast %get3A_85 : vector<1x1x2000xi32> to vector<1x2000xi32>
      %iota3A_87 = tpu.iota {dimensions = array<i32: 0>} : vector<64x2000xi32>
      %eq3A_88 = vector.broadcast %get3A_86 : vector<1x2000xi32> to vector<64x2000xi32>
      %eq3A_89 = arith.cmpi eq, %eq3A_88, %iota3A_87 : vector<64x2000xi32>
      %broadcast_in_dim3A_90 = vector.shape_cast %add3A_75 : vector<1x2000xf32> to vector<1x2000xf32>
      %broadcast_in_dim3A_91 = vector.broadcast %broadcast_in_dim3A_90 : vector<1x2000xf32> to vector<64x2000xf32>
      %broadcast_in_dim3A_92 = vector.broadcast %cond3A : f32 to vector<64x2000xf32>
      %select_n3A_93 = arith.select %eq3A_89, %broadcast_in_dim3A_91, %broadcast_in_dim3A_92 : vector<64x2000xi1>, vector<64x2000xf32>
      %reduce_max3A_94 = arith.constant dense<0xFF800000> : vector<64xf32>
      %reduce_max3A_95 = vector.multi_reduction <maximumf>, %select_n3A_93, %reduce_max3A_94 [1] : vector<64x2000xf32> to vector<64xf32>
      %broadcast_in_dim3A_96 = vector.shape_cast %reduce_max3A_95 : vector<64xf32> to vector<64x1xf32>
      %max3A_97 = arith.maximumf %max3A, %broadcast_in_dim3A_96 : vector<64x1xf32>
      %slice3A_98 = vector.extract_strided_slice %add3A_29 {offsets = [4000], sizes = [2000], strides = [1]} : vector<10000xf32> to vector<2000xf32>
      %reshape3A_99 = vector.shape_cast %slice3A_98 : vector<2000xf32> to vector<1x2000xf32>
      %get3A_100 = arith.constant 2 : index
      %get3A_101 = arith.constant 0 : index
      %get3A_102 = arith.constant 0 : index
      %get3A_103 = vector.load %arg2[%get3A_100, %get3A_101, %get3A_102] : memref<5x1x2000xf32, #tpu.memory_space<vmem>>, vector<1x1x2000xf32>
      %get3A_104 = vector.shape_cast %get3A_103 : vector<1x1x2000xf32> to vector<1x2000xf32>
      %add3A_105 = arith.addf %reshape3A_99, %get3A_104 : vector<1x2000xf32>
      %get3A_106 = arith.constant 0 : index
      %get3A_107 = arith.constant 0 : index
      %get3A_108 = vector.load %arg4[%get3A_106, %get3A_107] : memref<1x1xf32, #tpu.memory_space<vmem>>, vector<1x1xf32>
      %get3A_109 = vector.extract %get3A_108[0, 0] : f32 from vector<1x1xf32>
      %add3A_110 = vector.broadcast %get3A_109 : f32 to vector<1x2000xf32>
      %add3A_111 = arith.addf %add3A_105, %add3A_110 : vector<1x2000xf32>
      %swap3A_112 = arith.constant 2 : index
      %swap3A_113 = arith.constant 0 : index
      %swap3A_114 = arith.constant 0 : index
      %swap3A_115 = vector.load %arg7[%swap3A_112, %swap3A_113, %swap3A_114] : memref<5x1x2000xf32, #tpu.memory_space<vmem>>, vector<1x1x2000xf32>
      %swap3A_116 = vector.shape_cast %swap3A_115 : vector<1x1x2000xf32> to vector<1x2000xf32>
      %swap3A_117 = vector.shape_cast %add3A_111 : vector<1x2000xf32> to vector<1x1x2000xf32>
      tpu.vector_store %arg7[%swap3A_112, %swap3A_113, %swap3A_114], %swap3A_117 {strides = array<i32>} : memref<5x1x2000xf32, #tpu.memory_space<vmem>>, vector<1x1x2000xf32>,
      %get3A_118 = arith.constant 2 : index
      %get3A_119 = arith.constant 0 : index
      %get3A_120 = arith.constant 0 : index
      %get3A_121 = vector.load %arg3[%get3A_118, %get3A_119, %get3A_120] : memref<5x1x2000xi32, #tpu.memory_space<vmem>>, vector<1x1x2000xi32>
      %get3A_122 = vector.shape_cast %get3A_121 : vector<1x1x2000xi32> to vector<1x2000xi32>
      %iota3A_123 = tpu.iota {dimensions = array<i32: 0>} : vector<64x2000xi32>
      %eq3A_124 = vector.broadcast %get3A_122 : vector<1x2000xi32> to vector<64x2000xi32>
      %eq3A_125 = arith.cmpi eq, %eq3A_124, %iota3A_123 : vector<64x2000xi32>
      %broadcast_in_dim3A_126 = vector.shape_cast %add3A_111 : vector<1x2000xf32> to vector<1x2000xf32>
      %broadcast_in_dim3A_127 = vector.broadcast %broadcast_in_dim3A_126 : vector<1x2000xf32> to vector<64x2000xf32>
      %broadcast_in_dim3A_128 = vector.broadcast %cond3A : f32 to vector<64x2000xf32>
      %select_n3A_129 = arith.select %eq3A_125, %broadcast_in_dim3A_127, %broadcast_in_dim3A_128 : vector<64x2000xi1>, vector<64x2000xf32>
      %reduce_max3A_130 = arith.constant dense<0xFF800000> : vector<64xf32>
      %reduce_max3A_131 = vector.multi_reduction <maximumf>, %select_n3A_129, %reduce_max3A_130 [1] : vector<64x2000xf32> to vector<64xf32>
      %broadcast_in_dim3A_132 = vector.shape_cast %reduce_max3A_131 : vector<64xf32> to vector<64x1xf32>
      %max3A_133 = arith.maximumf %max3A_97, %broadcast_in_dim3A_132 : vector<64x1xf32>
      %slice3A_134 = vector.extract_strided_slice %add3A_29 {offsets = [6000], sizes = [2000], strides = [1]} : vector<10000xf32> to vector<2000xf32>
      %reshape3A_135 = vector.shape_cast %slice3A_134 : vector<2000xf32> to vector<1x2000xf32>
      %get3A_136 = arith.constant 3 : index
      %get3A_137 = arith.constant 0 : index
      %get3A_138 = arith.constant 0 : index
      %get3A_139 = vector.load %arg2[%get3A_136, %get3A_137, %get3A_138] : memref<5x1x2000xf32, #tpu.memory_space<vmem>>, vector<1x1x2000xf32>
      %get3A_140 = vector.shape_cast %get3A_139 : vector<1x1x2000xf32> to vector<1x2000xf32>
      %add3A_141 = arith.addf %reshape3A_135, %get3A_140 : vector<1x2000xf32>
      %get3A_142 = arith.constant 0 : index
      %get3A_143 = arith.constant 0 : index
      %get3A_144 = vector.load %arg4[%get3A_142, %get3A_143] : memref<1x1xf32, #tpu.memory_space<vmem>>, vector<1x1xf32>
      %get3A_145 = vector.extract %get3A_144[0, 0] : f32 from vector<1x1xf32>
      %add3A_146 = vector.broadcast %get3A_145 : f32 to vector<1x2000xf32>
      %add3A_147 = arith.addf %add3A_141, %add3A_146 : vector<1x2000xf32>
      %swap3A_148 = arith.constant 3 : index
      %swap3A_149 = arith.constant 0 : index
      %swap3A_150 = arith.constant 0 : index
      %swap3A_151 = vector.load %arg7[%swap3A_148, %swap3A_149, %swap3A_150] : memref<5x1x2000xf32, #tpu.memory_space<vmem>>, vector<1x1x2000xf32>
      %swap3A_152 = vector.shape_cast %swap3A_151 : vector<1x1x2000xf32> to vector<1x2000xf32>
      %swap3A_153 = vector.shape_cast %add3A_147 : vector<1x2000xf32> to vector<1x1x2000xf32>
      tpu.vector_store %arg7[%swap3A_148, %swap3A_149, %swap3A_150], %swap3A_153 {strides = array<i32>} : memref<5x1x2000xf32, #tpu.memory_space<vmem>>, vector<1x1x2000xf32>,
      %get3A_154 = arith.constant 3 : index
      %get3A_155 = arith.constant 0 : index
      %get3A_156 = arith.constant 0 : index
      %get3A_157 = vector.load %arg3[%get3A_154, %get3A_155, %get3A_156] : memref<5x1x2000xi32, #tpu.memory_space<vmem>>, vector<1x1x2000xi32>
      %get3A_158 = vector.shape_cast %get3A_157 : vector<1x1x2000xi32> to vector<1x2000xi32>
      %iota3A_159 = tpu.iota {dimensions = array<i32: 0>} : vector<64x2000xi32>
      %eq3A_160 = vector.broadcast %get3A_158 : vector<1x2000xi32> to vector<64x2000xi32>
      %eq3A_161 = arith.cmpi eq, %eq3A_160, %iota3A_159 : vector<64x2000xi32>
      %broadcast_in_dim3A_162 = vector.shape_cast %add3A_147 : vector<1x2000xf32> to vector<1x2000xf32>
      %broadcast_in_dim3A_163 = vector.broadcast %broadcast_in_dim3A_162 : vector<1x2000xf32> to vector<64x2000xf32>
      %broadcast_in_dim3A_164 = vector.broadcast %cond3A : f32 to vector<64x2000xf32>
      %select_n3A_165 = arith.select %eq3A_161, %broadcast_in_dim3A_163, %broadcast_in_dim3A_164 : vector<64x2000xi1>, vector<64x2000xf32>
      %reduce_max3A_166 = arith.constant dense<0xFF800000> : vector<64xf32>
      %reduce_max3A_167 = vector.multi_reduction <maximumf>, %select_n3A_165, %reduce_max3A_166 [1] : vector<64x2000xf32> to vector<64xf32>
      %broadcast_in_dim3A_168 = vector.shape_cast %reduce_max3A_167 : vector<64xf32> to vector<64x1xf32>
      %max3A_169 = arith.maximumf %max3A_133, %broadcast_in_dim3A_168 : vector<64x1xf32>
      %slice3A_170 = vector.extract_strided_slice %add3A_29 {offsets = [8000], sizes = [2000], strides = [1]} : vector<10000xf32> to vector<2000xf32>
      %reshape3A_171 = vector.shape_cast %slice3A_170 : vector<2000xf32> to vector<1x2000xf32>
      %get3A_172 = arith.constant 4 : index
      %get3A_173 = arith.constant 0 : index
      %get3A_174 = arith.constant 0 : index
      %get3A_175 = vector.load %arg2[%get3A_172, %get3A_173, %get3A_174] : memref<5x1x2000xf32, #tpu.memory_space<vmem>>, vector<1x1x2000xf32>
      %get3A_176 = vector.shape_cast %get3A_175 : vector<1x1x2000xf32> to vector<1x2000xf32>
      %add3A_177 = arith.addf %reshape3A_171, %get3A_176 : vector<1x2000xf32>
      %get3A_178 = arith.constant 0 : index
      %get3A_179 = arith.constant 0 : index
      %get3A_180 = vector.load %arg4[%get3A_178, %get3A_179] : memref<1x1xf32, #tpu.memory_space<vmem>>, vector<1x1xf32>
      %get3A_181 = vector.extract %get3A_180[0, 0] : f32 from vector<1x1xf32>
      %add3A_182 = vector.broadcast %get3A_181 : f32 to vector<1x2000xf32>
      %add3A_183 = arith.addf %add3A_177, %add3A_182 : vector<1x2000xf32>
      %swap3A_184 = arith.constant 4 : index
      %swap3A_185 = arith.constant 0 : index
      %swap3A_186 = arith.constant 0 : index
      %swap3A_187 = vector.load %arg7[%swap3A_184, %swap3A_185, %swap3A_186] : memref<5x1x2000xf32, #tpu.memory_space<vmem>>, vector<1x1x2000xf32>
      %swap3A_188 = vector.shape_cast %swap3A_187 : vector<1x1x2000xf32> to vector<1x2000xf32>
      %swap3A_189 = vector.shape_cast %add3A_183 : vector<1x2000xf32> to vector<1x1x2000xf32>
      tpu.vector_store %arg7[%swap3A_184, %swap3A_185, %swap3A_186], %swap3A_189 {strides = array<i32>} : memref<5x1x2000xf32, #tpu.memory_space<vmem>>, vector<1x1x2000xf32>,
      %get3A_190 = arith.constant 4 : index
      %get3A_191 = arith.constant 0 : index
      %get3A_192 = arith.constant 0 : index
      %get3A_193 = vector.load %arg3[%get3A_190, %get3A_191, %get3A_192] : memref<5x1x2000xi32, #tpu.memory_space<vmem>>, vector<1x1x2000xi32>
      %get3A_194 = vector.shape_cast %get3A_193 : vector<1x1x2000xi32> to vector<1x2000xi32>
      %iota3A_195 = tpu.iota {dimensions = array<i32: 0>} : vector<64x2000xi32>
      %eq3A_196 = vector.broadcast %get3A_194 : vector<1x2000xi32> to vector<64x2000xi32>
      %eq3A_197 = arith.cmpi eq, %eq3A_196, %iota3A_195 : vector<64x2000xi32>
      %broadcast_in_dim3A_198 = vector.shape_cast %add3A_183 : vector<1x2000xf32> to vector<1x2000xf32>
      %broadcast_in_dim3A_199 = vector.broadcast %broadcast_in_dim3A_198 : vector<1x2000xf32> to vector<64x2000xf32>
      %broadcast_in_dim3A_200 = vector.broadcast %cond3A : f32 to vector<64x2000xf32>
      %select_n3A_201 = arith.select %eq3A_197, %broadcast_in_dim3A_199, %broadcast_in_dim3A_200 : vector<64x2000xi1>, vector<64x2000xf32>
      %reduce_max3A_202 = arith.constant dense<0xFF800000> : vector<64xf32>
      %reduce_max3A_203 = vector.multi_reduction <maximumf>, %select_n3A_201, %reduce_max3A_202 [1] : vector<64x2000xf32> to vector<64xf32>
      %broadcast_in_dim3A_204 = vector.shape_cast %reduce_max3A_203 : vector<64xf32> to vector<64x1xf32>
      %max3A_205 = arith.maximumf %max3A_169, %broadcast_in_dim3A_204 : vector<64x1xf32>
      %broadcast_in_dim3A_206 = arith.constant 0.000000e+00 : f32
      %broadcast_in_dim3A_207 = vector.broadcast %broadcast_in_dim3A_206 : f32 to vector<64x1xf32>
      %get3A_208 = arith.constant 0 : index
      %get3A_209 = arith.constant 0 : index
      %get3A_210 = arith.constant 0 : index
      %get3A_211 = vector.load %arg3[%get3A_208, %get3A_209, %get3A_210] : memref<5x1x2000xi32, #tpu.memory_space<vmem>>, vector<1x1x2000xi32>
      %get3A_212 = vector.shape_cast %get3A_211 : vector<1x1x2000xi32> to vector<1x2000xi32>
      %iota3A_213 = tpu.iota {dimensions = array<i32: 0>} : vector<64x2000xi32>
      %eq3A_214 = vector.broadcast %get3A_212 : vector<1x2000xi32> to vector<64x2000xi32>
      %eq3A_215 = arith.cmpi eq, %eq3A_214, %iota3A_213 : vector<64x2000xi32>
      %convert_element_type3A_216 = arith.extui %eq3A_215 : vector<64x2000xi1> to vector<64x2000xi32>
      %convert_element_type3A_217 = arith.sitofp %convert_element_type3A_216 : vector<64x2000xi32> to vector<64x2000xf32>
      %get3A_218 = arith.constant 0 : index
      %get3A_219 = arith.constant 0 : index
      %get3A_220 = arith.constant 0 : index
      %get3A_221 = vector.load %arg7[%get3A_218, %get3A_219, %get3A_220] : memref<5x1x2000xf32, #tpu.memory_space<vmem>>, vector<1x1x2000xf32>
      %get3A_222 = vector.shape_cast %get3A_221 : vector<1x1x2000xf32> to vector<1x2000xf32>
      %mul3A_223 = vector.broadcast %max3A_205 : vector<64x1xf32> to vector<64x2000xf32>
      %mul3A_224 = arith.mulf %convert_element_type3A_217, %mul3A_223 : vector<64x2000xf32>
      %reduce_sum3A = arith.constant dense<0.000000e+00> : vector<2000xf32>
      %reduce_sum3A_225 = vector.multi_reduction <add>, %mul3A_224, %reduce_sum3A [0] : vector<64x2000xf32> to vector<2000xf32>
      %broadcast_in_dim3A_226 = vector.shape_cast %reduce_sum3A_225 : vector<2000xf32> to vector<1x2000xf32>
      %sub3A = arith.subf %get3A_222, %broadcast_in_dim3A_226 : vector<1x2000xf32>
      %min3A = arith.constant 0.000000e+00 : f32
      %min3A_227 = vector.broadcast %min3A : f32 to vector<1x2000xf32>
      %min3A_228 = arith.minimumf %sub3A, %min3A_227 : vector<1x2000xf32>
      %exp3A = math.exp %min3A_228 : vector<1x2000xf32>
      %swap3A_229 = arith.constant 0 : index
      %swap3A_230 = arith.constant 0 : index
      %swap3A_231 = arith.constant 0 : index
      %swap3A_232 = vector.load %arg7[%swap3A_229, %swap3A_230, %swap3A_231] : memref<5x1x2000xf32, #tpu.memory_space<vmem>>, vector<1x1x2000xf32>
      %swap3A_233 = vector.shape_cast %swap3A_232 : vector<1x1x2000xf32> to vector<1x2000xf32>
      %swap3A_234 = vector.shape_cast %exp3A : vector<1x2000xf32> to vector<1x1x2000xf32>
      tpu.vector_store %arg7[%swap3A_229, %swap3A_230, %swap3A_231], %swap3A_234 {strides = array<i32>} : memref<5x1x2000xf32, #tpu.memory_space<vmem>>, vector<1x1x2000xf32>,
      %mul3A_235 = vector.broadcast %exp3A : vector<1x2000xf32> to vector<64x2000xf32>
      %mul3A_236 = arith.mulf %convert_element_type3A_217, %mul3A_235 : vector<64x2000xf32>
      %reduce_sum3A_237 = arith.constant dense<0.000000e+00> : vector<64xf32>
      %reduce_sum3A_238 = vector.multi_reduction <add>, %mul3A_236, %reduce_sum3A_237 [1] : vector<64x2000xf32> to vector<64xf32>
      %broadcast_in_dim3A_239 = vector.shape_cast %reduce_sum3A_238 : vector<64xf32> to vector<64x1xf32>
      %add3A_240 = arith.addf %broadcast_in_dim3A_207, %broadcast_in_dim3A_239 : vector<64x1xf32>
      %get3A_241 = arith.constant 1 : index
      %get3A_242 = arith.constant 0 : index
      %get3A_243 = arith.constant 0 : index
      %get3A_244 = vector.load %arg3[%get3A_241, %get3A_242, %get3A_243] : memref<5x1x2000xi32, #tpu.memory_space<vmem>>, vector<1x1x2000xi32>
      %get3A_245 = vector.shape_cast %get3A_244 : vector<1x1x2000xi32> to vector<1x2000xi32>
      %iota3A_246 = tpu.iota {dimensions = array<i32: 0>} : vector<64x2000xi32>
      %eq3A_247 = vector.broadcast %get3A_245 : vector<1x2000xi32> to vector<64x2000xi32>
      %eq3A_248 = arith.cmpi eq, %eq3A_247, %iota3A_246 : vector<64x2000xi32>
      %convert_element_type3A_249 = arith.extui %eq3A_248 : vector<64x2000xi1> to vector<64x2000xi32>
      %convert_element_type3A_250 = arith.sitofp %convert_element_type3A_249 : vector<64x2000xi32> to vector<64x2000xf32>
      %get3A_251 = arith.constant 1 : index
      %get3A_252 = arith.constant 0 : index
      %get3A_253 = arith.constant 0 : index
      %get3A_254 = vector.load %arg7[%get3A_251, %get3A_252, %get3A_253] : memref<5x1x2000xf32, #tpu.memory_space<vmem>>, vector<1x1x2000xf32>
      %get3A_255 = vector.shape_cast %get3A_254 : vector<1x1x2000xf32> to vector<1x2000xf32>
      %mul3A_256 = vector.broadcast %max3A_205 : vector<64x1xf32> to vector<64x2000xf32>
      %mul3A_257 = arith.mulf %convert_element_type3A_250, %mul3A_256 : vector<64x2000xf32>
      %reduce_sum3A_258 = arith.constant dense<0.000000e+00> : vector<2000xf32>
      %reduce_sum3A_259 = vector.multi_reduction <add>, %mul3A_257, %reduce_sum3A_258 [0] : vector<64x2000xf32> to vector<2000xf32>
      %broadcast_in_dim3A_260 = vector.shape_cast %reduce_sum3A_259 : vector<2000xf32> to vector<1x2000xf32>
      %sub3A_261 = arith.subf %get3A_255, %broadcast_in_dim3A_260 : vector<1x2000xf32>
      %min3A_262 = arith.constant 0.000000e+00 : f32
      %min3A_263 = vector.broadcast %min3A_262 : f32 to vector<1x2000xf32>
      %min3A_264 = arith.minimumf %sub3A_261, %min3A_263 : vector<1x2000xf32>
      %exp3A_265 = math.exp %min3A_264 : vector<1x2000xf32>
      %swap3A_266 = arith.constant 1 : index
      %swap3A_267 = arith.constant 0 : index
      %swap3A_268 = arith.constant 0 : index
      %swap3A_269 = vector.load %arg7[%swap3A_266, %swap3A_267, %swap3A_268] : memref<5x1x2000xf32, #tpu.memory_space<vmem>>, vector<1x1x2000xf32>
      %swap3A_270 = vector.shape_cast %swap3A_269 : vector<1x1x2000xf32> to vector<1x2000xf32>
      %swap3A_271 = vector.shape_cast %exp3A_265 : vector<1x2000xf32> to vector<1x1x2000xf32>
      tpu.vector_store %arg7[%swap3A_266, %swap3A_267, %swap3A_268], %swap3A_271 {strides = array<i32>} : memref<5x1x2000xf32, #tpu.memory_space<vmem>>, vector<1x1x2000xf32>,
      %mul3A_272 = vector.broadcast %exp3A_265 : vector<1x2000xf32> to vector<64x2000xf32>
      %mul3A_273 = arith.mulf %convert_element_type3A_250, %mul3A_272 : vector<64x2000xf32>
      %reduce_sum3A_274 = arith.constant dense<0.000000e+00> : vector<64xf32>
      %reduce_sum3A_275 = vector.multi_reduction <add>, %mul3A_273, %reduce_sum3A_274 [1] : vector<64x2000xf32> to vector<64xf32>
      %broadcast_in_dim3A_276 = vector.shape_cast %reduce_sum3A_275 : vector<64xf32> to vector<64x1xf32>
      %add3A_277 = arith.addf %add3A_240, %broadcast_in_dim3A_276 : vector<64x1xf32>
      %get3A_278 = arith.constant 2 : index
      %get3A_279 = arith.constant 0 : index
      %get3A_280 = arith.constant 0 : index
      %get3A_281 = vector.load %arg3[%get3A_278, %get3A_279, %get3A_280] : memref<5x1x2000xi32, #tpu.memory_space<vmem>>, vector<1x1x2000xi32>
      %get3A_282 = vector.shape_cast %get3A_281 : vector<1x1x2000xi32> to vector<1x2000xi32>
      %iota3A_283 = tpu.iota {dimensions = array<i32: 0>} : vector<64x2000xi32>
      %eq3A_284 = vector.broadcast %get3A_282 : vector<1x2000xi32> to vector<64x2000xi32>
      %eq3A_285 = arith.cmpi eq, %eq3A_284, %iota3A_283 : vector<64x2000xi32>
      %convert_element_type3A_286 = arith.extui %eq3A_285 : vector<64x2000xi1> to vector<64x2000xi32>
      %convert_element_type3A_287 = arith.sitofp %convert_element_type3A_286 : vector<64x2000xi32> to vector<64x2000xf32>
      %get3A_288 = arith.constant 2 : index
      %get3A_289 = arith.constant 0 : index
      %get3A_290 = arith.constant 0 : index
      %get3A_291 = vector.load %arg7[%get3A_288, %get3A_289, %get3A_290] : memref<5x1x2000xf32, #tpu.memory_space<vmem>>, vector<1x1x2000xf32>
      %get3A_292 = vector.shape_cast %get3A_291 : vector<1x1x2000xf32> to vector<1x2000xf32>
      %mul3A_293 = vector.broadcast %max3A_205 : vector<64x1xf32> to vector<64x2000xf32>
      %mul3A_294 = arith.mulf %convert_element_type3A_287, %mul3A_293 : vector<64x2000xf32>
      %reduce_sum3A_295 = arith.constant dense<0.000000e+00> : vector<2000xf32>
      %reduce_sum3A_296 = vector.multi_reduction <add>, %mul3A_294, %reduce_sum3A_295 [0] : vector<64x2000xf32> to vector<2000xf32>
      %broadcast_in_dim3A_297 = vector.shape_cast %reduce_sum3A_296 : vector<2000xf32> to vector<1x2000xf32>
      %sub3A_298 = arith.subf %get3A_292, %broadcast_in_dim3A_297 : vector<1x2000xf32>
      %min3A_299 = arith.constant 0.000000e+00 : f32
      %min3A_300 = vector.broadcast %min3A_299 : f32 to vector<1x2000xf32>
      %min3A_301 = arith.minimumf %sub3A_298, %min3A_300 : vector<1x2000xf32>
      %exp3A_302 = math.exp %min3A_301 : vector<1x2000xf32>
      %swap3A_303 = arith.constant 2 : index
      %swap3A_304 = arith.constant 0 : index
      %swap3A_305 = arith.constant 0 : index
      %swap3A_306 = vector.load %arg7[%swap3A_303, %swap3A_304, %swap3A_305] : memref<5x1x2000xf32, #tpu.memory_space<vmem>>, vector<1x1x2000xf32>
      %swap3A_307 = vector.shape_cast %swap3A_306 : vector<1x1x2000xf32> to vector<1x2000xf32>
      %swap3A_308 = vector.shape_cast %exp3A_302 : vector<1x2000xf32> to vector<1x1x2000xf32>
      tpu.vector_store %arg7[%swap3A_303, %swap3A_304, %swap3A_305], %swap3A_308 {strides = array<i32>} : memref<5x1x2000xf32, #tpu.memory_space<vmem>>, vector<1x1x2000xf32>,
      %mul3A_309 = vector.broadcast %exp3A_302 : vector<1x2000xf32> to vector<64x2000xf32>
      %mul3A_310 = arith.mulf %convert_element_type3A_287, %mul3A_309 : vector<64x2000xf32>
      %reduce_sum3A_311 = arith.constant dense<0.000000e+00> : vector<64xf32>
      %reduce_sum3A_312 = vector.multi_reduction <add>, %mul3A_310, %reduce_sum3A_311 [1] : vector<64x2000xf32> to vector<64xf32>
      %broadcast_in_dim3A_313 = vector.shape_cast %reduce_sum3A_312 : vector<64xf32> to vector<64x1xf32>
      %add3A_314 = arith.addf %add3A_277, %broadcast_in_dim3A_313 : vector<64x1xf32>
      %get3A_315 = arith.constant 3 : index
      %get3A_316 = arith.constant 0 : index
      %get3A_317 = arith.constant 0 : index
      %get3A_318 = vector.load %arg3[%get3A_315, %get3A_316, %get3A_317] : memref<5x1x2000xi32, #tpu.memory_space<vmem>>, vector<1x1x2000xi32>
      %get3A_319 = vector.shape_cast %get3A_318 : vector<1x1x2000xi32> to vector<1x2000xi32>
      %iota3A_320 = tpu.iota {dimensions = array<i32: 0>} : vector<64x2000xi32>
      %eq3A_321 = vector.broadcast %get3A_319 : vector<1x2000xi32> to vector<64x2000xi32>
      %eq3A_322 = arith.cmpi eq, %eq3A_321, %iota3A_320 : vector<64x2000xi32>
      %convert_element_type3A_323 = arith.extui %eq3A_322 : vector<64x2000xi1> to vector<64x2000xi32>
      %convert_element_type3A_324 = arith.sitofp %convert_element_type3A_323 : vector<64x2000xi32> to vector<64x2000xf32>
      %get3A_325 = arith.constant 3 : index
      %get3A_326 = arith.constant 0 : index
      %get3A_327 = arith.constant 0 : index
      %get3A_328 = vector.load %arg7[%get3A_325, %get3A_326, %get3A_327] : memref<5x1x2000xf32, #tpu.memory_space<vmem>>, vector<1x1x2000xf32>
      %get3A_329 = vector.shape_cast %get3A_328 : vector<1x1x2000xf32> to vector<1x2000xf32>
      %mul3A_330 = vector.broadcast %max3A_205 : vector<64x1xf32> to vector<64x2000xf32>
      %mul3A_331 = arith.mulf %convert_element_type3A_324, %mul3A_330 : vector<64x2000xf32>
      %reduce_sum3A_332 = arith.constant dense<0.000000e+00> : vector<2000xf32>
      %reduce_sum3A_333 = vector.multi_reduction <add>, %mul3A_331, %reduce_sum3A_332 [0] : vector<64x2000xf32> to vector<2000xf32>
      %broadcast_in_dim3A_334 = vector.shape_cast %reduce_sum3A_333 : vector<2000xf32> to vector<1x2000xf32>
      %sub3A_335 = arith.subf %get3A_329, %broadcast_in_dim3A_334 : vector<1x2000xf32>
      %min3A_336 = arith.constant 0.000000e+00 : f32
      %min3A_337 = vector.broadcast %min3A_336 : f32 to vector<1x2000xf32>
      %min3A_338 = arith.minimumf %sub3A_335, %min3A_337 : vector<1x2000xf32>
      %exp3A_339 = math.exp %min3A_338 : vector<1x2000xf32>
      %swap3A_340 = arith.constant 3 : index
      %swap3A_341 = arith.constant 0 : index
      %swap3A_342 = arith.constant 0 : index
      %swap3A_343 = vector.load %arg7[%swap3A_340, %swap3A_341, %swap3A_342] : memref<5x1x2000xf32, #tpu.memory_space<vmem>>, vector<1x1x2000xf32>
      %swap3A_344 = vector.shape_cast %swap3A_343 : vector<1x1x2000xf32> to vector<1x2000xf32>
      %swap3A_345 = vector.shape_cast %exp3A_339 : vector<1x2000xf32> to vector<1x1x2000xf32>
      tpu.vector_store %arg7[%swap3A_340, %swap3A_341, %swap3A_342], %swap3A_345 {strides = array<i32>} : memref<5x1x2000xf32, #tpu.memory_space<vmem>>, vector<1x1x2000xf32>,
      %mul3A_346 = vector.broadcast %exp3A_339 : vector<1x2000xf32> to vector<64x2000xf32>
      %mul3A_347 = arith.mulf %convert_element_type3A_324, %mul3A_346 : vector<64x2000xf32>
      %reduce_sum3A_348 = arith.constant dense<0.000000e+00> : vector<64xf32>
      %reduce_sum3A_349 = vector.multi_reduction <add>, %mul3A_347, %reduce_sum3A_348 [1] : vector<64x2000xf32> to vector<64xf32>
      %broadcast_in_dim3A_350 = vector.shape_cast %reduce_sum3A_349 : vector<64xf32> to vector<64x1xf32>
      %add3A_351 = arith.addf %add3A_314, %broadcast_in_dim3A_350 : vector<64x1xf32>
      %get3A_352 = arith.constant 4 : index
      %get3A_353 = arith.constant 0 : index
      %get3A_354 = arith.constant 0 : index
      %get3A_355 = vector.load %arg3[%get3A_352, %get3A_353, %get3A_354] : memref<5x1x2000xi32, #tpu.memory_space<vmem>>, vector<1x1x2000xi32>
      %get3A_356 = vector.shape_cast %get3A_355 : vector<1x1x2000xi32> to vector<1x2000xi32>
      %iota3A_357 = tpu.iota {dimensions = array<i32: 0>} : vector<64x2000xi32>
      %eq3A_358 = vector.broadcast %get3A_356 : vector<1x2000xi32> to vector<64x2000xi32>
      %eq3A_359 = arith.cmpi eq, %eq3A_358, %iota3A_357 : vector<64x2000xi32>
      %convert_element_type3A_360 = arith.extui %eq3A_359 : vector<64x2000xi1> to vector<64x2000xi32>
      %convert_element_type3A_361 = arith.sitofp %convert_element_type3A_360 : vector<64x2000xi32> to vector<64x2000xf32>
      %get3A_362 = arith.constant 4 : index
      %get3A_363 = arith.constant 0 : index
      %get3A_364 = arith.constant 0 : index
      %get3A_365 = vector.load %arg7[%get3A_362, %get3A_363, %get3A_364] : memref<5x1x2000xf32, #tpu.memory_space<vmem>>, vector<1x1x2000xf32>
      %get3A_366 = vector.shape_cast %get3A_365 : vector<1x1x2000xf32> to vector<1x2000xf32>
      %mul3A_367 = vector.broadcast %max3A_205 : vector<64x1xf32> to vector<64x2000xf32>
      %mul3A_368 = arith.mulf %convert_element_type3A_361, %mul3A_367 : vector<64x2000xf32>
      %reduce_sum3A_369 = arith.constant dense<0.000000e+00> : vector<2000xf32>
      %reduce_sum3A_370 = vector.multi_reduction <add>, %mul3A_368, %reduce_sum3A_369 [0] : vector<64x2000xf32> to vector<2000xf32>
      %broadcast_in_dim3A_371 = vector.shape_cast %reduce_sum3A_370 : vector<2000xf32> to vector<1x2000xf32>
      %sub3A_372 = arith.subf %get3A_366, %broadcast_in_dim3A_371 : vector<1x2000xf32>
      %min3A_373 = arith.constant 0.000000e+00 : f32
      %min3A_374 = vector.broadcast %min3A_373 : f32 to vector<1x2000xf32>
      %min3A_375 = arith.minimumf %sub3A_372, %min3A_374 : vector<1x2000xf32>
      %exp3A_376 = math.exp %min3A_375 : vector<1x2000xf32>
      %swap3A_377 = arith.constant 4 : index
      %swap3A_378 = arith.constant 0 : index
      %swap3A_379 = arith.constant 0 : index
      %swap3A_380 = vector.load %arg7[%swap3A_377, %swap3A_378, %swap3A_379] : memref<5x1x2000xf32, #tpu.memory_space<vmem>>, vector<1x1x2000xf32>
      %swap3A_381 = vector.shape_cast %swap3A_380 : vector<1x1x2000xf32> to vector<1x2000xf32>
      %swap3A_382 = vector.shape_cast %exp3A_376 : vector<1x2000xf32> to vector<1x1x2000xf32>
      tpu.vector_store %arg7[%swap3A_377, %swap3A_378, %swap3A_379], %swap3A_382 {strides = array<i32>} : memref<5x1x2000xf32, #tpu.memory_space<vmem>>, vector<1x1x2000xf32>,
      %mul3A_383 = vector.broadcast %exp3A_376 : vector<1x2000xf32> to vector<64x2000xf32>
      %mul3A_384 = arith.mulf %convert_element_type3A_361, %mul3A_383 : vector<64x2000xf32>
      %reduce_sum3A_385 = arith.constant dense<0.000000e+00> : vector<64xf32>
      %reduce_sum3A_386 = vector.multi_reduction <add>, %mul3A_384, %reduce_sum3A_385 [1] : vector<64x2000xf32> to vector<64xf32>
      %broadcast_in_dim3A_387 = vector.shape_cast %reduce_sum3A_386 : vector<64xf32> to vector<64x1xf32>
      %add3A_388 = arith.addf %add3A_351, %broadcast_in_dim3A_387 : vector<64x1xf32>
      %add3A_389 = arith.constant 1.000000e-16 : f32
      %add3A_390 = vector.broadcast %add3A_389 : f32 to vector<64x1xf32>
      %add3A_391 = arith.addf %add3A_388, %add3A_390 : vector<64x1xf32>
      %div3A = arith.constant 1.000000e+00 : f32
      %div3A_392 = vector.broadcast %div3A : f32 to vector<64x1xf32>
      %div3A_393 = arith.divf %div3A_392, %add3A_391 : vector<64x1xf32>
      %get3A_394 = arith.constant 0 : index
      %get3A_395 = arith.constant 0 : index
      %get3A_396 = arith.constant 0 : index
      %get3A_397 = vector.load %arg3[%get3A_394, %get3A_395, %get3A_396] : memref<5x1x2000xi32, #tpu.memory_space<vmem>>, vector<1x1x2000xi32>
      %get3A_398 = vector.shape_cast %get3A_397 : vector<1x1x2000xi32> to vector<1x2000xi32>
      %iota3A_399 = tpu.iota {dimensions = array<i32: 0>} : vector<64x2000xi32>
      %eq3A_400 = vector.broadcast %get3A_398 : vector<1x2000xi32> to vector<64x2000xi32>
      %eq3A_401 = arith.cmpi eq, %eq3A_400, %iota3A_399 : vector<64x2000xi32>
      %convert_element_type3A_402 = arith.extui %eq3A_401 : vector<64x2000xi1> to vector<64x2000xi32>
      %convert_element_type3A_403 = arith.sitofp %convert_element_type3A_402 : vector<64x2000xi32> to vector<64x2000xf32>
      %get3A_404 = arith.constant 0 : index
      %get3A_405 = arith.constant 0 : index
      %get3A_406 = arith.constant 0 : index
      %get3A_407 = vector.load %arg7[%get3A_404, %get3A_405, %get3A_406] : memref<5x1x2000xf32, #tpu.memory_space<vmem>>, vector<1x1x2000xf32>
      %get3A_408 = vector.shape_cast %get3A_407 : vector<1x1x2000xf32> to vector<1x2000xf32>
      %mul3A_409 = vector.broadcast %div3A_393 : vector<64x1xf32> to vector<64x2000xf32>
      %mul3A_410 = arith.mulf %convert_element_type3A_403, %mul3A_409 : vector<64x2000xf32>
      %reduce_sum3A_411 = arith.constant dense<0.000000e+00> : vector<2000xf32>
      %reduce_sum3A_412 = vector.multi_reduction <add>, %mul3A_410, %reduce_sum3A_411 [0] : vector<64x2000xf32> to vector<2000xf32>
      %broadcast_in_dim3A_413 = vector.shape_cast %reduce_sum3A_412 : vector<2000xf32> to vector<1x2000xf32>
      %mul3A_414 = arith.mulf %get3A_408, %broadcast_in_dim3A_413 : vector<1x2000xf32>
      %swap3A_415 = arith.constant 0 : index
      %swap3A_416 = arith.constant 0 : index
      %swap3A_417 = arith.constant 0 : index
      %swap3A_418 = vector.load %arg8[%swap3A_415, %swap3A_416, %swap3A_417] : memref<5x1x2000xf32, #tpu.memory_space<vmem>>, vector<1x1x2000xf32>
      %swap3A_419 = vector.shape_cast %swap3A_418 : vector<1x1x2000xf32> to vector<1x2000xf32>
      %swap3A_420 = vector.shape_cast %mul3A_414 : vector<1x2000xf32> to vector<1x1x2000xf32>
      tpu.vector_store %arg8[%swap3A_415, %swap3A_416, %swap3A_417], %swap3A_420 {strides = array<i32>} : memref<5x1x2000xf32, #tpu.memory_space<vmem>>, vector<1x1x2000xf32>,
      %get3A_421 = arith.constant 1 : index
      %get3A_422 = arith.constant 0 : index
      %get3A_423 = arith.constant 0 : index
      %get3A_424 = vector.load %arg3[%get3A_421, %get3A_422, %get3A_423] : memref<5x1x2000xi32, #tpu.memory_space<vmem>>, vector<1x1x2000xi32>
      %get3A_425 = vector.shape_cast %get3A_424 : vector<1x1x2000xi32> to vector<1x2000xi32>
      %iota3A_426 = tpu.iota {dimensions = array<i32: 0>} : vector<64x2000xi32>
      %eq3A_427 = vector.broadcast %get3A_425 : vector<1x2000xi32> to vector<64x2000xi32>
      %eq3A_428 = arith.cmpi eq, %eq3A_427, %iota3A_426 : vector<64x2000xi32>
      %convert_element_type3A_429 = arith.extui %eq3A_428 : vector<64x2000xi1> to vector<64x2000xi32>
      %convert_element_type3A_430 = arith.sitofp %convert_element_type3A_429 : vector<64x2000xi32> to vector<64x2000xf32>
      %get3A_431 = arith.constant 1 : index
      %get3A_432 = arith.constant 0 : index
      %get3A_433 = arith.constant 0 : index
      %get3A_434 = vector.load %arg7[%get3A_431, %get3A_432, %get3A_433] : memref<5x1x2000xf32, #tpu.memory_space<vmem>>, vector<1x1x2000xf32>
      %get3A_435 = vector.shape_cast %get3A_434 : vector<1x1x2000xf32> to vector<1x2000xf32>
      %mul3A_436 = vector.broadcast %div3A_393 : vector<64x1xf32> to vector<64x2000xf32>
      %mul3A_437 = arith.mulf %convert_element_type3A_430, %mul3A_436 : vector<64x2000xf32>
      %reduce_sum3A_438 = arith.constant dense<0.000000e+00> : vector<2000xf32>
      %reduce_sum3A_439 = vector.multi_reduction <add>, %mul3A_437, %reduce_sum3A_438 [0] : vector<64x2000xf32> to vector<2000xf32>
      %broadcast_in_dim3A_440 = vector.shape_cast %reduce_sum3A_439 : vector<2000xf32> to vector<1x2000xf32>
      %mul3A_441 = arith.mulf %get3A_435, %broadcast_in_dim3A_440 : vector<1x2000xf32>
      %swap3A_442 = arith.constant 1 : index
      %swap3A_443 = arith.constant 0 : index
      %swap3A_444 = arith.constant 0 : index
      %swap3A_445 = vector.load %arg8[%swap3A_442, %swap3A_443, %swap3A_444] : memref<5x1x2000xf32, #tpu.memory_space<vmem>>, vector<1x1x2000xf32>
      %swap3A_446 = vector.shape_cast %swap3A_445 : vector<1x1x2000xf32> to vector<1x2000xf32>
      %swap3A_447 = vector.shape_cast %mul3A_441 : vector<1x2000xf32> to vector<1x1x2000xf32>
      tpu.vector_store %arg8[%swap3A_442, %swap3A_443, %swap3A_444], %swap3A_447 {strides = array<i32>} : memref<5x1x2000xf32, #tpu.memory_space<vmem>>, vector<1x1x2000xf32>,
      %get3A_448 = arith.constant 2 : index
      %get3A_449 = arith.constant 0 : index
      %get3A_450 = arith.constant 0 : index
      %get3A_451 = vector.load %arg3[%get3A_448, %get3A_449, %get3A_450] : memref<5x1x2000xi32, #tpu.memory_space<vmem>>, vector<1x1x2000xi32>
      %get3A_452 = vector.shape_cast %get3A_451 : vector<1x1x2000xi32> to vector<1x2000xi32>
      %iota3A_453 = tpu.iota {dimensions = array<i32: 0>} : vector<64x2000xi32>
      %eq3A_454 = vector.broadcast %get3A_452 : vector<1x2000xi32> to vector<64x2000xi32>
      %eq3A_455 = arith.cmpi eq, %eq3A_454, %iota3A_453 : vector<64x2000xi32>
      %convert_element_type3A_456 = arith.extui %eq3A_455 : vector<64x2000xi1> to vector<64x2000xi32>
      %convert_element_type3A_457 = arith.sitofp %convert_element_type3A_456 : vector<64x2000xi32> to vector<64x2000xf32>
      %get3A_458 = arith.constant 2 : index
      %get3A_459 = arith.constant 0 : index
      %get3A_460 = arith.constant 0 : index
      %get3A_461 = vector.load %arg7[%get3A_458, %get3A_459, %get3A_460] : memref<5x1x2000xf32, #tpu.memory_space<vmem>>, vector<1x1x2000xf32>
      %get3A_462 = vector.shape_cast %get3A_461 : vector<1x1x2000xf32> to vector<1x2000xf32>
      %mul3A_463 = vector.broadcast %div3A_393 : vector<64x1xf32> to vector<64x2000xf32>
      %mul3A_464 = arith.mulf %convert_element_type3A_457, %mul3A_463 : vector<64x2000xf32>
      %reduce_sum3A_465 = arith.constant dense<0.000000e+00> : vector<2000xf32>
      %reduce_sum3A_466 = vector.multi_reduction <add>, %mul3A_464, %reduce_sum3A_465 [0] : vector<64x2000xf32> to vector<2000xf32>
      %broadcast_in_dim3A_467 = vector.shape_cast %reduce_sum3A_466 : vector<2000xf32> to vector<1x2000xf32>
      %mul3A_468 = arith.mulf %get3A_462, %broadcast_in_dim3A_467 : vector<1x2000xf32>
      %swap3A_469 = arith.constant 2 : index
      %swap3A_470 = arith.constant 0 : index
      %swap3A_471 = arith.constant 0 : index
      %swap3A_472 = vector.load %arg8[%swap3A_469, %swap3A_470, %swap3A_471] : memref<5x1x2000xf32, #tpu.memory_space<vmem>>, vector<1x1x2000xf32>
      %swap3A_473 = vector.shape_cast %swap3A_472 : vector<1x1x2000xf32> to vector<1x2000xf32>
      %swap3A_474 = vector.shape_cast %mul3A_468 : vector<1x2000xf32> to vector<1x1x2000xf32>
      tpu.vector_store %arg8[%swap3A_469, %swap3A_470, %swap3A_471], %swap3A_474 {strides = array<i32>} : memref<5x1x2000xf32, #tpu.memory_space<vmem>>, vector<1x1x2000xf32>,
      %get3A_475 = arith.constant 3 : index
      %get3A_476 = arith.constant 0 : index
      %get3A_477 = arith.constant 0 : index
      %get3A_478 = vector.load %arg3[%get3A_475, %get3A_476, %get3A_477] : memref<5x1x2000xi32, #tpu.memory_space<vmem>>, vector<1x1x2000xi32>
      %get3A_479 = vector.shape_cast %get3A_478 : vector<1x1x2000xi32> to vector<1x2000xi32>
      %iota3A_480 = tpu.iota {dimensions = array<i32: 0>} : vector<64x2000xi32>
      %eq3A_481 = vector.broadcast %get3A_479 : vector<1x2000xi32> to vector<64x2000xi32>
      %eq3A_482 = arith.cmpi eq, %eq3A_481, %iota3A_480 : vector<64x2000xi32>
      %convert_element_type3A_483 = arith.extui %eq3A_482 : vector<64x2000xi1> to vector<64x2000xi32>
      %convert_element_type3A_484 = arith.sitofp %convert_element_type3A_483 : vector<64x2000xi32> to vector<64x2000xf32>
      %get3A_485 = arith.constant 3 : index
      %get3A_486 = arith.constant 0 : index
      %get3A_487 = arith.constant 0 : index
      %get3A_488 = vector.load %arg7[%get3A_485, %get3A_486, %get3A_487] : memref<5x1x2000xf32, #tpu.memory_space<vmem>>, vector<1x1x2000xf32>
      %get3A_489 = vector.shape_cast %get3A_488 : vector<1x1x2000xf32> to vector<1x2000xf32>
      %mul3A_490 = vector.broadcast %div3A_393 : vector<64x1xf32> to vector<64x2000xf32>
      %mul3A_491 = arith.mulf %convert_element_type3A_484, %mul3A_490 : vector<64x2000xf32>
      %reduce_sum3A_492 = arith.constant dense<0.000000e+00> : vector<2000xf32>
      %reduce_sum3A_493 = vector.multi_reduction <add>, %mul3A_491, %reduce_sum3A_492 [0] : vector<64x2000xf32> to vector<2000xf32>
      %broadcast_in_dim3A_494 = vector.shape_cast %reduce_sum3A_493 : vector<2000xf32> to vector<1x2000xf32>
      %mul3A_495 = arith.mulf %get3A_489, %broadcast_in_dim3A_494 : vector<1x2000xf32>
      %swap3A_496 = arith.constant 3 : index
      %swap3A_497 = arith.constant 0 : index
      %swap3A_498 = arith.constant 0 : index
      %swap3A_499 = vector.load %arg8[%swap3A_496, %swap3A_497, %swap3A_498] : memref<5x1x2000xf32, #tpu.memory_space<vmem>>, vector<1x1x2000xf32>
      %swap3A_500 = vector.shape_cast %swap3A_499 : vector<1x1x2000xf32> to vector<1x2000xf32>
      %swap3A_501 = vector.shape_cast %mul3A_495 : vector<1x2000xf32> to vector<1x1x2000xf32>
      tpu.vector_store %arg8[%swap3A_496, %swap3A_497, %swap3A_498], %swap3A_501 {strides = array<i32>} : memref<5x1x2000xf32, #tpu.memory_space<vmem>>, vector<1x1x2000xf32>,
      %get3A_502 = arith.constant 4 : index
      %get3A_503 = arith.constant 0 : index
      %get3A_504 = arith.constant 0 : index
      %get3A_505 = vector.load %arg3[%get3A_502, %get3A_503, %get3A_504] : memref<5x1x2000xi32, #tpu.memory_space<vmem>>, vector<1x1x2000xi32>
      %get3A_506 = vector.shape_cast %get3A_505 : vector<1x1x2000xi32> to vector<1x2000xi32>
      %iota3A_507 = tpu.iota {dimensions = array<i32: 0>} : vector<64x2000xi32>
      %eq3A_508 = vector.broadcast %get3A_506 : vector<1x2000xi32> to vector<64x2000xi32>
      %eq3A_509 = arith.cmpi eq, %eq3A_508, %iota3A_507 : vector<64x2000xi32>
      %convert_element_type3A_510 = arith.extui %eq3A_509 : vector<64x2000xi1> to vector<64x2000xi32>
      %convert_element_type3A_511 = arith.sitofp %convert_element_type3A_510 : vector<64x2000xi32> to vector<64x2000xf32>
      %get3A_512 = arith.constant 4 : index
      %get3A_513 = arith.constant 0 : index
      %get3A_514 = arith.constant 0 : index
      %get3A_515 = vector.load %arg7[%get3A_512, %get3A_513, %get3A_514] : memref<5x1x2000xf32, #tpu.memory_space<vmem>>, vector<1x1x2000xf32>
      %get3A_516 = vector.shape_cast %get3A_515 : vector<1x1x2000xf32> to vector<1x2000xf32>
      %mul3A_517 = vector.broadcast %div3A_393 : vector<64x1xf32> to vector<64x2000xf32>
      %mul3A_518 = arith.mulf %convert_element_type3A_511, %mul3A_517 : vector<64x2000xf32>
      %reduce_sum3A_519 = arith.constant dense<0.000000e+00> : vector<2000xf32>
      %reduce_sum3A_520 = vector.multi_reduction <add>, %mul3A_518, %reduce_sum3A_519 [0] : vector<64x2000xf32> to vector<2000xf32>
      %broadcast_in_dim3A_521 = vector.shape_cast %reduce_sum3A_520 : vector<2000xf32> to vector<1x2000xf32>
      %mul3A_522 = arith.mulf %get3A_516, %broadcast_in_dim3A_521 : vector<1x2000xf32>
      %swap3A_523 = arith.constant 4 : index
      %swap3A_524 = arith.constant 0 : index
      %swap3A_525 = arith.constant 0 : index
      %swap3A_526 = vector.load %arg8[%swap3A_523, %swap3A_524, %swap3A_525] : memref<5x1x2000xf32, #tpu.memory_space<vmem>>, vector<1x1x2000xf32>
      %swap3A_527 = vector.shape_cast %swap3A_526 : vector<1x1x2000xf32> to vector<1x2000xf32>
      %swap3A_528 = vector.shape_cast %mul3A_522 : vector<1x2000xf32> to vector<1x1x2000xf32>
      tpu.vector_store %arg8[%swap3A_523, %swap3A_524, %swap3A_525], %swap3A_528 {strides = array<i32>} : memref<5x1x2000xf32, #tpu.memory_space<vmem>>, vector<1x1x2000xf32>,
      %broadcast_in_dim3A_529 = arith.constant 0.000000e+00 : f32
      %broadcast_in_dim3A_530 = vector.broadcast %broadcast_in_dim3A_529 : f32 to vector<64x256xf32>
      %swap3A_531 = arith.constant 0 : index
      %swap3A_532 = arith.constant 0 : index
      %swap3A_533 = vector.load %arg6[%swap3A_531, %swap3A_532] : memref<64x256xf32, #tpu.memory_space<vmem>>, vector<64x256xf32>
      tpu.vector_store %arg6[%swap3A_531, %swap3A_532], %broadcast_in_dim3A_530 {strides = array<i32>} : memref<64x256xf32, #tpu.memory_space<vmem>>, vector<64x256xf32>,
    } else {
    }
    %get3A = arith.index_cast %arg0 : i32 to index
    %get3A_3 = arith.constant 0 : index
    %get3A_4 = arith.constant 0 : index
    %get3A_5 = vector.load %arg3[%get3A, %get3A_3, %get3A_4] : memref<5x1x2000xi32, #tpu.memory_space<vmem>>, vector<1x1x2000xi32>
    %get3A_6 = vector.shape_cast %get3A_5 : vector<1x1x2000xi32> to vector<1x2000xi32>
    %iota3A = tpu.iota {dimensions = array<i32: 0>} : vector<64x2000xi32>
    %eq3A_7 = vector.broadcast %get3A_6 : vector<1x2000xi32> to vector<64x2000xi32>
    %eq3A_8 = arith.cmpi eq, %eq3A_7, %iota3A : vector<64x2000xi32>
    %convert_element_type3A_9 = arith.extui %eq3A_8 : vector<64x2000xi1> to vector<64x2000xi32>
    %convert_element_type3A_10 = arith.sitofp %convert_element_type3A_9 : vector<64x2000xi32> to vector<64x2000xf32>
    %get3A_11 = arith.index_cast %arg0 : i32 to index
    %get3A_12 = arith.constant 0 : index
    %get3A_13 = arith.constant 0 : index
    %get3A_14 = vector.load %arg8[%get3A_11, %get3A_12, %get3A_13] : memref<5x1x2000xf32, #tpu.memory_space<vmem>>, vector<1x1x2000xf32>
    %get3A_15 = vector.shape_cast %get3A_14 : vector<1x1x2000xf32> to vector<1x2000xf32>
    %mul3A = vector.broadcast %get3A_15 : vector<1x2000xf32> to vector<64x2000xf32>
    %mul3A_16 = arith.mulf %convert_element_type3A_10, %mul3A : vector<64x2000xf32>
    %get3A_17 = arith.constant 0 : index
    %get3A_18 = arith.constant 0 : index
    %get3A_19 = vector.load %arg6[%get3A_17, %get3A_18] : memref<64x256xf32, #tpu.memory_space<vmem>>, vector<64x256xf32>
    %get3A_20 = arith.constant 0 : index
    %get3A_21 = arith.constant 0 : index
    %get3A_22 = vector.load %arg5[%get3A_20, %get3A_21] : memref<2000x256xf32, #tpu.memory_space<vmem>>, vector<2000x256xf32>
    %dot_general3A = arith.constant dense<0.000000e+00> : vector<64x256xf32>
    %dot_general3A_23 = tpu.matmul %mul3A_16, %get3A_22, %dot_general3A {dimension_numbers = #tpu.dot_dimension_numbers<[1], [0], [0], [1], [0, 0, 1, 1], [], []>, transpose_lhs_hint = false} : vector<64x2000xf32>, vector<2000x256xf32>, vector<64x256xf32> -> vector<64x256xf32>
    %add3A = arith.addf %get3A_19, %dot_general3A_23 : vector<64x256xf32>
    %swap3A = arith.constant 0 : index
    %swap3A_24 = arith.constant 0 : index
    %swap3A_25 = vector.load %arg6[%swap3A, %swap3A_24] : memref<64x256xf32, #tpu.memory_space<vmem>>, vector<64x256xf32>
    tpu.vector_store %arg6[%swap3A, %swap3A_24], %add3A {strides = array<i32>} : memref<64x256xf32, #tpu.memory_space<vmem>>, vector<64x256xf32>,
    return
  }
  func.func @transform_0(%arg0: i32) -> i32 {
    %c0_i32 = arith.constant 0 : i32
    %c0_i32_0 = arith.constant 0 : i32
    return %c0_i32 : i32
  }
  func.func @transform_1(%arg0: i32) -> (i32, i32, i32) {
    %c0_i32 = arith.constant 0 : i32
    %c0_i32_0 = arith.constant 0 : i32
    %c0_i32_1 = arith.constant 0 : i32
    %c0_i32_2 = arith.constant 0 : i32
    return %c0_i32, %c0_i32_0, %c0_i32_1 : i32, i32, i32
  }
  func.func @transform_2(%arg0: i32) -> (i32, i32, i32) {
    %c0_i32 = arith.constant 0 : i32
    %c0_i32_0 = arith.constant 0 : i32
    %c0_i32_1 = arith.constant 0 : i32
    %c0_i32_2 = arith.constant 0 : i32
    return %c0_i32, %c0_i32_0, %c0_i32_1 : i32, i32, i32
  }
  func.func @transform_3(%arg0: i32) -> (i32, i32) {
    %c0_i32 = arith.constant 0 : i32
    %c0_i32_0 = arith.constant 0 : i32
    %c0_i32_1 = arith.constant 0 : i32
    return %c0_i32, %c0_i32_0 : i32, i32
  }
  func.func @transform_4(%arg0: i32) -> (i32, i32) {
    %c0_i32 = arith.constant 0 : i32
    %c0_i32_0 = arith.constant 0 : i32
    return %arg0, %c0_i32 : i32, i32
  }
  func.func @transform_5(%arg0: i32) -> (i32, i32) {
    %c0_i32 = arith.constant 0 : i32
    %c0_i32_0 = arith.constant 0 : i32
    %c0_i32_1 = arith.constant 0 : i32
    return %c0_i32, %c0_i32_0 : i32, i32
  }
}

</mosaic_0001>

<sc_bundles>
// kernel: kernel.5.cloned.1.call-start
scs
__scs_entry_jumppad:
0x0: {  	(pc) =	sbr.rel $0x88, $3  }
0x1: {  	(tag) =	ssettag $0x0;
	lr =	simm.s32 $0x1  }
0x2: {  	[smem:$0x3F9B] =	sst lr;
	_ =	strace $0xD0000000  }
0x3: {  	_ = 	snop  }
0x4: {  	_ = 	snop  }
0x5: {  	_ = 	snop  }
0x6: {  	_ = 	snop  }
0x7: {  	_ = 	snop  }
__scs_overlays_trampoline_lowered:
0x8: {  	[smem:$0x3FAA] =	sst s0  }
0x9: {  	[smem:$0x3FAB] =	sst s1  }
0xa: {  	[smem:$0x3FAC] =	sst s2  }
0xb: {  	[smem:$0x3FAD] =	sst s3  }
0xc: {  	[smem:$0x3FAE] =	sst s4  }
0xd: {  	[smem:$0x3FAF] =	sst s5  }
0xe: {  	[smem:$0x3FB0] =	sst s6  }
0xf: {  	[smem:$0x3FB1] =	sst s7  }
0x10: {  	[smem:$0x3FB2] =	sst s8  }
0x11: {  	[smem:$0x3FB3] =	sst s9;
	s0 =	simm.s32 @!p0 $0x0  }
0x12: {  	s1 =	sld [smem:$0x3F99];
	s0 =	simm.s32 @p0 $0x1  }
0x13: {  	[smem:$0x3FB4] =	sst s0;
	s0 =	simm.s32 @!p1 $0x0  }
0x14: {  	s2 =	sld [smem:$0x3F98];
	s0 =	simm.s32 @p1 $0x1  }
0x15: {  	[smem:$0x3FB5] =	sst s0;
	s0 =	simm.s32 @!p2 $0x0  }
0x16: {  	s3 =	sld [smem:$0x3FDB];
	s0 =	simm.s32 @p2 $0x1  }
0x17: {  	s4 =	simm.s32 $0x1BF5;
	[smem:$0x3FB7] =	sst s0  }
0x18: {  	s0 =	sld [smem:$0x3F9A];
	_ =	swait.ge [sflag:s4], $0x0  }
0x19: {  	s7 =	sld [smem:$0x3F9B]  }
0x1a: {  	s8 =	sadd.s32 $0xFFFFE003, lr  }
0x1b: {  	s9 =	sadd.s32 $0xFFFFFEF7, lr;
	s5 =	simm.s32 $0xFFFFFFFF;
	p2 =	slt.u32 s8, $0xFFFFF086  }
0x1c: {  	p1 =	slt.u32 s9, $0xF7A;
	s5 =	simm.s32 @!p2 $0x0  }
0x1d: {  	s5 =	simm.s32 @p1 $0x1;
	p0 =	seq.s32 s7, s2  }
0x1e: {  	s7 =	smul.u32 @!p0 $0xF7A, s2;
	p2 =	seq.s32 @!p0 s5, $0x0  }
0x1f: {  	s9 =	smul.u32 $0xF7A, s1;
	s8 =	simm.s32 @!p0 $0x1BF5;
	p2 =	por !p2, p0  }
0x20: {  	[sflag:s8] =	ssyncset.s32 @!p0 $0xFFFFF086;
	s6 =	sadd.s32 @!p0 s3, s7;
	s7 =	simm.s32 @!p0 $0x108  }
0x21: {  	s3 =	sadd.s32 s3, s9;
	s6 =	sadd.s32 @!p0 $0x88, s6;
	s7 =	simm.s32 @p2 $0x1082  }
0x22: {  	[simem:s7], [sflag:s8] =	dma.local @!p0 [hbm:s6], $0xF7A  }
0x23: {  	s9 =	sor.u32 $0xD0000000, s2;
	s6 =	simm.s32 $0x108;
	_ =	swait.ge @!p0 [sflag:s8], $0x0  }
0x24: {  	s3 =	sadd.s32 $0x88, s3;
	s6 =	simm.s32 @!p1 $0x1082;
	[sflag:s4] =	ssyncset.s32 $0xFFFFF086  }
0x25: {  	[simem:s6], [sflag:s4] =	dma.local [hbm:s3], $0xF7A  }
0x26: {  	[smem:$0x3F9B] =	sst s1;
	(tag) =	ssettag s2;
	_ =	strace s9  }
0x27: {  	s1 =	sld [smem:$0x3FAB]  }
0x28: {  	s2 =	sld [smem:$0x3FAC]  }
0x29: {  	s4 =	sld [smem:$0x3FAE]  }
0x2a: {  	p0 =	seq.s32 s5, $0x0;
	s5 =	sld [smem:$0x3FAF]  }
0x2b: {  	s6 =	sld [smem:$0x3FB0]  }
0x2c: {  	s7 =	sld [smem:$0x3FB1]  }
0x2d: {  	s3 =	simm.s32 $0x108;
	s8 =	sld [smem:$0x3FB2]  }
0x2e: {  	s3 =	simm.s32 @!p0 $0x1082;
	s9 =	sld [smem:$0x3FB3]  }
0x2f: {  	lr =	sadd.s32 s0, s3;
	s0 =	sld [smem:$0x3FAA]  }
0x30: {  	s3 =	sld [smem:$0x3FAD]  }
0x31: {  	[smem:$0x3FB6] =	sst s10  }
0x32: {  	s10 =	sld [smem:$0x3FB4];
	_ =	sdelay $0x3  }
0x33: {  	p0 =	seq.s32 s10, $0x1;
	s10 =	sld [smem:$0x3FB6];
	_ =	sdelay $0x3  }
0x34: {  	[smem:$0x3FB6] =	sst s10  }
0x35: {  	s10 =	sld [smem:$0x3FB5];
	_ =	sdelay $0x3  }
0x36: {  	p1 =	seq.s32 s10, $0x1;
	s10 =	sld [smem:$0x3FB6];
	_ =	sdelay $0x3  }
0x37: {  	[smem:$0x3FB6] =	sst s10  }
0x38: {  	s10 =	sld [smem:$0x3FB7]  }
0x39: {  	_ = 	snop;
	(pc) =	sbr.ind lr, $3  }
0x3a: {  	_ = 	snop  }
0x3b: {  	_ = 	snop  }
0x3c: {  	p2 =	seq.s32 s10, $0x1;
	s10 =	sld [smem:$0x3FB6]  }
0x3d: {  	_ =	shalt  }
0x3e: {  	_ =	shalt  }
0x3f: {  	_ =	shalt  }
0x40: {  	_ =	shalt  }
0x41: {  	_ =	shalt  }
0x42: {  	_ =	shalt  }
0x43: {  	_ =	shalt  }
0x44: {  	_ =	shalt  }
0x45: {  	_ =	shalt  }
0x46: {  	_ =	shalt  }
0x47: {  	_ =	shalt  }
0x48: {  	_ =	shalt  }
0x49: {  	_ =	shalt  }
0x4a: {  	_ =	shalt  }
0x4b: {  	_ =	shalt  }
0x4c: {  	_ =	shalt  }
0x4d: {  	_ =	shalt  }
0x4e: {  	_ =	shalt  }
0x4f: {  	_ =	shalt  }
0x50: {  	_ =	shalt  }
0x51: {  	_ =	shalt  }
0x52: {  	_ =	shalt  }
0x53: {  	_ =	shalt  }
0x54: {  	_ =	shalt  }
0x55: {  	_ =	shalt  }
0x56: {  	_ =	shalt  }
0x57: {  	_ =	shalt  }
0x58: {  	_ =	shalt  }
0x59: {  	_ =	shalt  }
0x5a: {  	_ =	shalt  }
0x5b: {  	_ =	shalt  }
0x5c: {  	_ =	shalt  }
0x5d: {  	_ =	shalt  }
0x5e: {  	_ =	shalt  }
0x5f: {  	_ =	shalt  }
0x60: {  	_ =	shalt  }
0x61: {  	_ =	shalt  }
0x62: {  	_ =	shalt  }
0x63: {  	_ =	shalt  }
0x64: {  	_ =	shalt  }
0x65: {  	_ =	shalt  }
0x66: {  	_ =	shalt  }
0x67: {  	_ =	shalt  }
0x68: {  	_ =	shalt  }
0x69: {  	_ =	shalt  }
0x6a: {  	_ =	shalt  }
0x6b: {  	_ =	shalt  }
0x6c: {  	_ =	shalt  }
0x6d: {  	_ =	shalt  }
0x6e: {  	_ =	shalt  }
0x6f: {  	_ =	shalt  }
0x70: {  	_ =	shalt  }
0x71: {  	_ =	shalt  }
0x72: {  	_ =	shalt  }
0x73: {  	_ =	shalt  }
0x74: {  	_ =	shalt  }
0x75: {  	_ =	shalt  }
0x76: {  	_ =	shalt  }
0x77: {  	_ =	shalt  }
0x78: {  	_ =	shalt  }
0x79: {  	_ =	shalt  }
0x7a: {  	_ =	shalt  }
0x7b: {  	_ =	shalt  }
0x7c: {  	_ =	shalt  }
0x7d: {  	_ =	shalt  }
0x7e: {  	_ =	shalt  }
0x7f: {  	_ =	shalt  }
0x80: {  	_ =	shalt  }
0x81: {  	_ =	shalt  }
0x82: {  	_ =	shalt  }
0x83: {  	_ =	shalt  }
0x84: {  	_ =	shalt  }
0x85: {  	_ =	shalt  }
0x86: {  	_ =	shalt  }
0x87: {  	_ =	shalt  }
.Lfunc_end0:
.L_simem_size_0:
called_computation_lowered:
.L_overlay_start_0:
0x88: {  	s2 =	sld [smem:$0x3FD9]  }
0x89: {  	s3 =	sld [smem:$0x3FFE];
	_ =	sdelay $0x1  }
0x8a: {  	s1 =	srdreg.scid  }
0x8b: {  	s0 =	sand.u32 $0x1, s1  }
0x8c: {  	s17 =	sshll.u32 s0, $0xA;
	s2 =	sadd.s32 s3, s2  }
0x8d: {  	s2 =	sadd.s32 s2, s17  }
0x8e: {  	[smem:$0x3FC2] =	sst s2  }
0x8f: {  	_ = 	snop  }
0x90: {  	s2 =	sld [smem:$0x3FD0];
	(tm) =	ssettm $0x1  }
0x91: {  	s18 =	sld [smem:$0x3FFB];
	_ =	sdelay $0x3  }
0x92: {  	_ =	strace s18  }
0x93: {  	s3 =	sld [smem:$0x3FFC];
	_ =	sdelay $0x3  }
0x94: {  	_ =	strace s3  }
0x95: {  	s3 =	sld [smem:$0x3FFD];
	_ =	sdelay $0x3  }
0x96: {  	_ =	strace s3  }
0x97: {  	_ =	strace $0x8FFFFFFF  }
0x98: {  	s19 =	sld [smem:$0x3FDB];
	_ =	sdelay $0x1  }
0x99: {  	s4 =	simm.s32 $_scs_section_size  }
0x9a: {  	s5 =	simm.s32 $_size__tile_overlayer_lowered;
	s6 =	simm.s32 $_tile_overlayer_lowered  }
0x9b: {  	s22 =	simm.s32 $0x1BFF;
	s21 =	sshll.u32 s6, $0x1;
	s3 =	sadd.s32 s4, s19  }
0x9c: {  	s7 =	simm.s32 $0x0;
	s20 =	sshll.u32 s5, $0x1;
	s5 =	sadd.s32 s21, s3  }
0x9d: {  	[timem:s7], [sflag:s22] =	dma.local [hbm:s5], s20  }
0x9e: {  	_ =	swait.ge [sflag:s22], s20  }
0x9f: {  	s4 =	ssub.s32 $0x0, s20;
	[sflag:s22] =	ssyncset.done $0x0  }
0xa0: {  	[sflag:s22] =	ssyncadd.s32 s4;
	_ =	sdelay $0x1  }
0xa1: {  	s23 =	simm.s32 $0x1B8B  }
0xa2: {  	_ =	swait.ge [sflag:s23], $0x1  }
0xa3: {  	[sflag:s23] =	ssyncset.done $0x0  }
0xa4: {  	s25 =	simm.s32 $0x1B8E;
	s24 =	sld [smem:$0x3FFE];
	[sflag:s23] =	ssyncadd.s32 $0xFFFFFFFF  }
0xa5: {  	s26 =	simm.s32 $execute0_lowered;
	[smem:$0x3FD2] =	sst s25  }
0xa6: {  	s5 =	sshll.u32 s26, $0x1;
	_ =	strace $0x80000046;
	[dreg:$0x1] =	wrdreg $0xFFFFFFFF  }
0xa7: {  	s28 =	simm.s32 $_size_execute0_lowered;
	s3 =	sadd.s32 s3, s5;
	[dreg:$0x0] =	wrdreg $0x0  }
0xa8: {  	s5 =	sshll.u32 s28, $0x1;
	[dreg:$0x2] =	wrdreg s3  }
0xa9: {  	[dreg:$0x3] =	wrdreg s5  }
0xaa: {  	[dreg:$0x4] =	wrdreg $0xC0  }
0xab: {  	_ =	task [dreg:s7], $0x5FFFF  }
0xac: {  	[dreg:$0x1] =	wrdreg $0xFFFFFFFF  }
0xad: {  	[dreg:$0x0] =	wrdreg $0x60  }
0xae: {  	[dreg:$0x2] =	wrdreg s2  }
0xaf: {  	[dreg:$0x3] =	wrdreg s24  }
0xb0: {  	[dreg:$0x4] =	wrdreg $0x9FD00  }
0xb1: {  	[dreg:$0x5] =	wrdreg $0x9  }
0xb2: {  	_ =	task.clear_ibuf [dreg:s7], $0x6FFFF;
	_ =	strace $0x90000046  }
0xb3: {  	s29 =	simm.s32 $0x9;
	_ =	strace $0x80000048  }
0xb4: {  	_ =	swait.ge [sflag:s29], $0x1  }
0xb5: {  	[sflag:s29] =	ssyncadd.s32 $0xFFFFFFFF  }
0xb6: {  	_ =	strace $0x90000048  }
0xb7: {  	_ =	sfence  }
0xb8: {  	s30 =	sld [smem:$0x0];
	_ =	sdelay $0x2  }
0xb9: {  	s31 =	sshll.u32 s1, $0xD;
	s1 =	sshrl.u32 s1, $0x2  }
0xba: {  	s3 =	sand.u32 $0x4000, s31;
	s1 =	sadd.s32 s1, s30  }
0xbb: {  	s0 =	sor.u32 s3, s0;
	s1 =	sshll.u32 s1, $0x11  }
0xbc: {  	s0 =	sor.u32 s1, s0  }
0xbd: {  	s0 =	sadd.s32 $0x8F2B, s0  }
0xbe: {  	[sflag:s0] =	ssyncadd.remote.s32 $0x1  }
0xbf: {  	_ =	sfence.sel $0xFFFF  }
0xc0: {  	[dreg:$0x0] =	wrdreg $0xFFFFFFFF;
	(pc) =	sbr.abs _section_cstart, $3  }
0xc1: {  	[dreg:$0x1] =	wrdreg $0xFFFFFFFF  }
0xc2: {  	_ =	task.clear_ibuf [dreg:s7], $0x2FFFF;
	_ =	strace $0x9FFFFFFF  }
0xc3: {  	(tm) =	ssettm $0x7FFFFFFF  }
tec
execute0_lowered:
.L_overlay_start_1:
0x0: {  	(tag) =	ssettag $0x1  }
0x1: {  	s0 =	rddreg [dreg:$0x0];
	s1 =	srdreg.scid  }
0x2: {  	s2 =	rddreg [dreg:$0x1];
	s12 =	stileid.u32  }
0x3: {  	s7 =	rddreg [dreg:$0x2];
	s3 =	simm.s32 $0x0;
	s6 =	smul.u32 $0x9C40, s12  }
0x4: {  	s1 =	sand.u32 $0x1, s1;
	[smem:$0x7FF] =	sst s3;
	s8 =	smul.u32 $0x280, s12  }
0x5: {  	s23 =	sadd.s32 $0x2580, s7;
	s24 =	sadd.s32 $0x4C90, s7;
	s25 =	sadd.s32 $0x73A0, s7  }
0x6: {  	s26 =	sadd.s32 $0x9AB0, s7;
	s15 =	sadd.s32 $0xC1C0, s7;
	s16 =	sadd.s32 $0xE8D0, s7  }
0x7: {  	s17 =	sadd.s32 $0x10FE0, s7;
	s18 =	sadd.s32 $0x136F0, s7;
	s19 =	sadd.s32 $0x15E00, s7  }
0x8: {  	p0 =	sne.s32 s12, $0xF;
	s28 =	sadd.s32 $0x100, s0;
	s29 =	sadd.s32 $0x200, s0  }
0x9: {  	s30 =	sadd.s32 $0x300, s0;
	_ =	strace $0x80000047;
	[dreg:$0x6] =	wrdreg s23  }
0xa: {  	s31 =	sadd.s32 $0x400, s0;
	s4 =	sshll.u32 s1, $0x4;
	[dreg:$0x8] =	wrdreg s24  }
0xb: {  	s5 =	ssub.s32 $0x2, s1;
	s1 =	smul.u32 $0x2710, s1;
	[dreg:$0x9] =	wrdreg s25  }
0xc: {  	[dreg:$0xa] =	wrdreg s26;
	s23 =	sadd.s32 $0x1FA40, s7;
	s24 =	sadd.s32 $0x22150, s7  }
0xd: {  	s25 =	sadd.s32 $0x24860, s7;
	s26 =	sadd.s32 $0x26F70, s7;
	s4 =	sor.u32 s12, s4  }
0xe: {  	s20 =	sshrl.u32 s5, $0x1;
	s6 =	sshrl.u32 s6, $0x2;
	s4 =	smul.u32 $0x1388, s4  }
0xf: {  	s12 =	simm.s32 $0x0;
	s10 =	ssub.s32 s5, s20;
	s21 =	sadd.s32 s8, s1  }
0x10: {  	s6 =	sadd.s32 s6, s7;
	s1 =	sshrl.u32 s1, $0x3;
	s4 =	sshrl.u32 s4, $0x3  }
0x11: {  	s8 =	sadd.s32 s8, s7;
	s20 =	sadd.s32 $0x18510, s7;
	s9 =	sadd.s32 s4, s2  }
0x12: {  	[dreg:$0x4] =	wrdreg s8;
	s2 =	sadd.s32 $0xB400, s2;
	s4 =	sadd.s32 $0x1600, s9  }
.Ltmp0:
0x13: {  	s5 =	sadd.s32 $0x6420, s9;
	s9 =	sshrl.u32 s21, $0x3;
	(pc) =	sbr.rel .LBB2_1-.Ltmp0, $4  }
0x14: {  	s11 =	smax.u32 s10, $0x1;
	s1 =	sadd.s32 s2, s1;
	s22 =	sadd.s32 s2, s9  }
0x15: {  	s8 =	simm.s32 $0x2;
	s1 =	sadd.s32 $0x4B0, s1;
	[dreg:$0x5] =	wrdreg s22  }
0x16: {  	s21 =	sadd.s32 $0x1AC20, s7;
	s9 =	simm.s32 $0x2720;
	[dreg:$0x7] =	wrdreg s1  }
0x17: {  	v0 =	vimm.s32 $0x2710;
	v1 =	vimm.s32 $0x0;
	v2 =	vimm.f32 $0.0e+00;
	s22 =	sadd.s32 $0x1D330, s7;
	s7 =	simm.s32 $0x1;
	s1 =	simm.s32 $0x9D50  }
.LBB2_12:
0x18: {  	v4 =	vadd.f32 v4, v9  }
0x19: {  	v3 =	vadd.f32 v3, v8  }
0x1a: {  	v4 =	vadd.f32 v7, v4  }
0x1b: {  	v3 =	vadd.f32 v5, v3  }
0x1c: {  	s2 =	sadd.s32 $0x20, s2;
	v4 =	vadd.f32 v6, v4  }
0x1d: {  	[tilespmem:s2+$0x0] =	vst v3  }
0x1e: {  	[tilespmem:s2+$0xFFFFFFF0] =	vst v4  }
0x1f: {  	s2 =	rddreg [dreg:$0x5]  }
0x20: {  	[hbm4b:s2+s3] =	stream.linear.scatter [tilespmem:s1], [sflag:$0x2], $0x280, $0x38;
	[tilespmem:$0xC6E0] =	vst v63  }
0x21: {  	_ =	swait.ge [sflag:s8], $0x280  }
0x22: {  	[sflag:s8] =	ssyncset.done $0x0  }
0x23: {  	[sflag:s8] =	ssyncadd.s32 $0xFFFFFD80  }
.LBB2_13:
0x24: {  	s12 =	sadd.s32 $0x1, s12  }
0x25: {  	p1 =	sne.s32 s12, s11  }
.Ltmp1:
0x26: {  	_ = 	snop;
	(pc) =	sbr.rel @!p1 .LBB2_14-.Ltmp1, $1  }
0x27: {  	_ =	sdelay $0x3  }
.LBB2_1:
0x28: {  	[tilespmem:$0x61B0] =	vst v0  }
0x29: {  	[tilespmem:$0x7540] =	vst v1  }
0x2a: {  	[tilespmem:s3], [sflag:$0x1] =	stream.linear.gather [hbm4b:s0+s3], $0x7D0, $0x38;
	[tilespmem:$0xC6E0] =	vst v63  }
0x2b: {  	s2 =	simm.s32 $0x7D0  }
0x2c: {  	[tilespmem:s2], [sflag:$0x1] =	stream.linear.gather [hbm4b:s28+s3], $0x7D0, $0x38;
	[tilespmem:$0xC6E0] =	vst v63  }
0x2d: {  	s13 =	simm.s32 $0xFA0  }
0x2e: {  	[tilespmem:s13], [sflag:$0x1] =	stream.linear.gather [hbm4b:s29+s3], $0x7D0, $0x38;
	[tilespmem:$0xC6E0] =	vst v63  }
0x2f: {  	s14 =	simm.s32 $0x1770  }
0x30: {  	[tilespmem:s14], [sflag:$0x1] =	stream.linear.gather [hbm4b:s30+s3], $0x7D0, $0x38;
	[tilespmem:$0xC6E0] =	vst v63  }
0x31: {  	s10 =	simm.s32 $0x1F40  }
0x32: {  	[tilespmem:s10], [sflag:$0x1] =	stream.linear.gather [hbm4b:s31+s3], $0x7D0, $0x38;
	[tilespmem:$0xC6E0] =	vst v63  }
0x33: {  	[tilespmem:$0x2710] =	vst v2  }
0x34: {  	_ =	swait.ge [sflag:s7], $0x7D0  }
0x35: {  	[sflag:s7] =	ssyncset.done $0x0  }
0x36: {  	[sflag:s7] =	ssyncadd.s32 $0xFFFFF830  }
0x37: {  	_ =	swait.ge [sflag:s7], $0x7D0  }
0x38: {  	[sflag:s7] =	ssyncset.done $0x0  }
0x39: {  	[sflag:s7] =	ssyncadd.s32 $0xFFFFF830  }
0x3a: {  	_ =	swait.ge [sflag:s7], $0x7D0  }
0x3b: {  	[sflag:s7] =	ssyncset.done $0x0  }
0x3c: {  	[sflag:s7] =	ssyncadd.s32 $0xFFFFF830  }
0x3d: {  	_ =	swait.ge [sflag:s7], $0x7D0  }
0x3e: {  	[sflag:s7] =	ssyncset.done $0x0  }
0x3f: {  	[sflag:s7] =	ssyncadd.s32 $0xFFFFF830  }
0x40: {  	_ =	swait.ge [sflag:s7], $0x7D0  }
0x41: {  	[sflag:s7] =	ssyncset.done $0x0  }
0x42: {  	s13 =	simm.s32 $0x4E30;
	[sflag:s7] =	ssyncadd.s32 $0xFFFFF830  }
0x43: {  	[tilespmem:s13], [sflag:$0x2] =	stream.linear.gather [hbm4b:s4+s3], $0x1388, $0x38;
	[tilespmem:$0xC6E0] =	vst v63  }
0x44: {  	_ =	swait.ge [sflag:s8], $0x1388  }
0x45: {  	[sflag:s8] =	ssyncset.done $0x0  }
0x46: {  	s14 =	simm.s32 $0x61C0;
	[sflag:s8] =	ssyncadd.s32 $0xFFFFEC78  }
0x47: {  	[tilespmem:s14], [sflag:$0x2] =	stream.linear.gather [hbm4b:s5+s3], $0x1388, $0x38;
	[tilespmem:$0xC6E0] =	vst v63  }
0x48: {  	_ =	swait.ge [sflag:s8], $0x1388  }
0x49: {  	[sflag:s8] =	ssyncset.done $0x0  }
0x4a: {  	s2 =	simm.s32 $0x2760;
	[sflag:s8] =	ssyncadd.s32 $0xFFFFEC78  }
0x4b: {  	[tilespmem:s2+$0xFFFFFFC0] =	vst v2  }
0x4c: {  	[tilespmem:s2+$0x30] =	vst v2  }
0x4d: {  	[tilespmem:s2+$0x20] =	vst v2  }
0x4e: {  	[tilespmem:s2+$0x10] =	vst v2  }
0x4f: {  	[tilespmem:s2+$0x0] =	vst v2  }
0x50: {  	[tilespmem:s2+$0xFFFFFFF0] =	vst v2  }
0x51: {  	s10 =	simm.s32 $0x0;
	[tilespmem:s2+$0xFFFFFFE0] =	vst v2  }
.LBB2_2:
0x52: {  	s10 =	sadd.s32 $0x8, s10;
	[tilespmem:s2+$0xFFFFFFD0] =	vst v2;
	s2 =	sadd.s32 $0x80, s2  }
0x53: {  	[tilespmem:s2+$0xFFFFFFC0] =	vst v2;
	p1 =	slt.u32 s10, $0x268  }
0x54: {  	[tilespmem:s2+$0x30] =	vst v2  }
.Ltmp2:
0x55: {  	[tilespmem:s2+$0x20] =	vst v2;
	(pc) =	sbr.rel @p1 .LBB2_2-.Ltmp2, $4  }
0x56: {  	[tilespmem:s2+$0x10] =	vst v2  }
0x57: {  	[tilespmem:s2+$0x0] =	vst v2  }
0x58: {  	[tilespmem:s2+$0xFFFFFFF0] =	vst v2  }
0x59: {  	[tilespmem:s2+$0xFFFFFFE0] =	vst v2  }
0x5a: {  	[tilespmem:s2+$0xFFFFFFD0] =	vst v2  }
0x5b: {  	s10 =	simm.s32 $0x4EB0;
	[tilespmem:$0x4E20] =	vst v2  }
0x5c: {  	v3 =	vld [tilespmem:s10+$0x70]  }
0x5d: {  	v4 =	vld [tilespmem:s10+$0xFFFFFF90]  }
0x5e: {  	v5 =	vld [tilespmem:s10+$0xFFFFFFA0]  }
0x5f: {  	v6 =	vld [tilespmem:s10+$0xFFFFFFB0]  }
0x60: {  	v7 =	vld [tilespmem:s10+$0xFFFFFFC0]  }
0x61: {  	s13 =	simm.s32 $0x6240;
	v8 =	vld [tilespmem:s10+$0xFFFFFFD0]  }
0x62: {  	v9 =	vld [tilespmem:s13+$0x70]  }
0x63: {  	v10 =	vld [tilespmem:s10+$0xFFFFFFE0]  }
0x64: {  	v11 =	vld [tilespmem:s10+$0xFFFFFFF0]  }
0x65: {  	v12 =	vld [tilespmem:s10+$0x0]  }
0x66: {  	v13 =	vld [tilespmem:s10+$0x10]  }
0x67: {  	v14 =	vld [tilespmem:s10+$0x20]  }
0x68: {  	v15 =	vld [tilespmem:s10+$0x30]  }
0x69: {  	v63 =	vld [tilespmem:s10+$0x50]  }
0x6a: {  	v16 =	vld [tilespmem:s10+$0x60]  }
0x6b: {  	v17 =	vld [tilespmem:s10+$0xFFFFFF80]  }
0x6c: {  	v18 =	vld [tilespmem:s13+$0xFFFFFF80]  }
0x6d: {  	v19 =	vld [tilespmem:s13+$0xFFFFFF90]  }
0x6e: {  	v20 =	vld [tilespmem:s13+$0xFFFFFFA0]  }
0x6f: {  	v21 =	vld [tilespmem:s13+$0xFFFFFFB0]  }
0x70: {  	v22 =	vld [tilespmem:s13+$0xFFFFFFC0]  }
0x71: {  	v23 =	vld [tilespmem:s13+$0xFFFFFFD0]  }
0x72: {  	v24 =	vld [tilespmem:s13+$0xFFFFFFE0]  }
0x73: {  	v25 =	vld [tilespmem:s13+$0xFFFFFFF0]  }
0x74: {  	v26 =	vld [tilespmem:s13+$0x0]  }
0x75: {  	v27 =	vld [tilespmem:s13+$0x10]  }
0x76: {  	v28 =	vld [tilespmem:s13+$0x20]  }
0x77: {  	v29 =	vld [tilespmem:s13+$0x30]  }
0x78: {  	v30 =	vld [tilespmem:s13+$0x40]  }
0x79: {  	v31 =	vld [tilespmem:s13+$0x50]  }
0x7a: {  	s2 =	simm.s32 $0x0;
	v32 =	vld [tilespmem:s13+$0x60]  }
0x7b: {  	v3 =	vld.idx.msk [tilespmem:v3+s2+$0x0], $0xffff  }
0x7c: {  	v4 =	vld.idx.msk [tilespmem:v4+s2+$0x0], $0xffff  }
0x7d: {  	v5 =	vld.idx.msk [tilespmem:v5+s2+$0x0], $0xffff  }
0x7e: {  	v6 =	vld.idx.msk [tilespmem:v6+s2+$0x0], $0xffff  }
0x7f: {  	v7 =	vld.idx.msk [tilespmem:v7+s2+$0x0], $0xffff  }
0x80: {  	v8 =	vld.idx.msk [tilespmem:v8+s2+$0x0], $0xffff  }
0x81: {  	v10 =	vld.idx.msk [tilespmem:v10+s2+$0x0], $0xffff  }
0x82: {  	v11 =	vld.idx.msk [tilespmem:v11+s2+$0x0], $0xffff  }
0x83: {  	v17 =	vld.idx.msk [tilespmem:v17+s2+$0x0], $0xffff  }
0x84: {  	v12 =	vld.idx.msk [tilespmem:v12+s2+$0x0], $0xffff  }
0x85: {  	v13 =	vld.idx.msk [tilespmem:v13+s2+$0x0], $0xffff  }
0x86: {  	v14 =	vld.idx.msk [tilespmem:v14+s2+$0x0], $0xffff  }
0x87: {  	v15 =	vld.idx.msk [tilespmem:v15+s2+$0x0], $0xffff  }
0x88: {  	v16 =	vld.idx.msk [tilespmem:v16+s2+$0x0], $0xffff  }
0x89: {  	[tilespmem:v9+s9+$0x0] =	vst.idx.add.f32.msk $0xffff, v3  }
0x8a: {  	v3 =	vld [tilespmem:s10+$0x40]  }
0x8b: {  	v9 =	vld.idx.msk [tilespmem:v63+s2+$0x0], $0xffff  }
0x8c: {  	[tilespmem:v18+s9+$0x0] =	vst.idx.add.f32.msk $0xffff, v17  }
0x8d: {  	[tilespmem:v19+s9+$0x0] =	vst.idx.add.f32.msk $0xffff, v4  }
0x8e: {  	[tilespmem:v20+s9+$0x0] =	vst.idx.add.f32.msk $0xffff, v5  }
0x8f: {  	[tilespmem:v21+s9+$0x0] =	vst.idx.add.f32.msk $0xffff, v6  }
0x90: {  	[tilespmem:v22+s9+$0x0] =	vst.idx.add.f32.msk $0xffff, v7  }
0x91: {  	[tilespmem:v23+s9+$0x0] =	vst.idx.add.f32.msk $0xffff, v8  }
0x92: {  	[tilespmem:v24+s9+$0x0] =	vst.idx.add.f32.msk $0xffff, v10  }
0x93: {  	[tilespmem:v25+s9+$0x0] =	vst.idx.add.f32.msk $0xffff, v11  }
0x94: {  	[tilespmem:v26+s9+$0x0] =	vst.idx.add.f32.msk $0xffff, v12  }
0x95: {  	[tilespmem:v27+s9+$0x0] =	vst.idx.add.f32.msk $0xffff, v13  }
0x96: {  	v3 =	vld.idx.msk [tilespmem:v3+s2+$0x0], $0xffff  }
0x97: {  	[tilespmem:v28+s9+$0x0] =	vst.idx.add.f32.msk $0xffff, v14  }
0x98: {  	[tilespmem:v29+s9+$0x0] =	vst.idx.add.f32.msk $0xffff, v15  }
0x99: {  	[tilespmem:v32+s9+$0x0] =	vst.idx.add.f32.msk $0xffff, v16  }
0x9a: {  	[tilespmem:v31+s9+$0x0] =	vst.idx.add.f32.msk $0xffff, v9  }
0x9b: {  	s14 =	simm.s32 $0x0;
	s10 =	simm.s32 $0x4FB0;
	[tilespmem:v30+s9+$0x0] =	vst.idx.add.f32.msk $0xffff, v3  }
.LBB2_4:
0x9c: {  	v3 =	vld [tilespmem:s10+$0x70];
	s14 =	sadd.s32 $0x10, s14  }
0x9d: {  	v4 =	vld [tilespmem:s10+$0xFFFFFF90];
	p1 =	slt.u32 s14, $0x120  }
0x9e: {  	v5 =	vld [tilespmem:s10+$0xFFFFFFA0]  }
0x9f: {  	v6 =	vld [tilespmem:s10+$0xFFFFFFB0]  }
0xa0: {  	v7 =	vld [tilespmem:s10+$0xFFFFFFC0]  }
0xa1: {  	s13 =	sadd.s32 $0x100, s13;
	v8 =	vld [tilespmem:s10+$0xFFFFFFD0]  }
0xa2: {  	v9 =	vld [tilespmem:s13+$0x70]  }
0xa3: {  	v10 =	vld [tilespmem:s10+$0xFFFFFFE0]  }
0xa4: {  	v3 =	vld.idx.msk [tilespmem:v3+s2+$0x0], $0xffff  }
0xa5: {  	v11 =	vld [tilespmem:s10+$0xFFFFFFF0]  }
0xa6: {  	v12 =	vld [tilespmem:s10+$0x0]  }
0xa7: {  	v13 =	vld [tilespmem:s10+$0x10]  }
0xa8: {  	v14 =	vld [tilespmem:s10+$0x20]  }
0xa9: {  	v15 =	vld [tilespmem:s10+$0x30]  }
0xaa: {  	[tilespmem:v9+s9+$0x0] =	vst.idx.add.f32.msk $0xffff, v3  }
0xab: {  	v3 =	vld [tilespmem:s10+$0x40]  }
0xac: {  	v9 =	vld [tilespmem:s10+$0x50]  }
0xad: {  	v16 =	vld [tilespmem:s10+$0x60]  }
0xae: {  	v17 =	vld [tilespmem:s10+$0xFFFFFF80]  }
0xaf: {  	v4 =	vld.idx.msk [tilespmem:v4+s2+$0x0], $0xffff  }
0xb0: {  	v5 =	vld.idx.msk [tilespmem:v5+s2+$0x0], $0xffff  }
0xb1: {  	v6 =	vld.idx.msk [tilespmem:v6+s2+$0x0], $0xffff  }
0xb2: {  	v7 =	vld.idx.msk [tilespmem:v7+s2+$0x0], $0xffff  }
0xb3: {  	v8 =	vld.idx.msk [tilespmem:v8+s2+$0x0], $0xffff  }
0xb4: {  	v10 =	vld.idx.msk [tilespmem:v10+s2+$0x0], $0xffff  }
0xb5: {  	v11 =	vld.idx.msk [tilespmem:v11+s2+$0x0], $0xffff  }
0xb6: {  	v17 =	vld.idx.msk [tilespmem:v17+s2+$0x0], $0xffff  }
0xb7: {  	v12 =	vld.idx.msk [tilespmem:v12+s2+$0x0], $0xffff  }
0xb8: {  	v13 =	vld.idx.msk [tilespmem:v13+s2+$0x0], $0xffff  }
0xb9: {  	v14 =	vld.idx.msk [tilespmem:v14+s2+$0x0], $0xffff  }
0xba: {  	v15 =	vld.idx.msk [tilespmem:v15+s2+$0x0], $0xffff  }
0xbb: {  	v3 =	vld.idx.msk [tilespmem:v3+s2+$0x0], $0xffff  }
0xbc: {  	v9 =	vld.idx.msk [tilespmem:v9+s2+$0x0], $0xffff  }
0xbd: {  	v16 =	vld.idx.msk [tilespmem:v16+s2+$0x0], $0xffff  }
0xbe: {  	v18 =	vld [tilespmem:s13+$0xFFFFFF80]  }
0xbf: {  	v19 =	vld [tilespmem:s13+$0xFFFFFF90]  }
0xc0: {  	v20 =	vld [tilespmem:s13+$0xFFFFFFA0]  }
0xc1: {  	v21 =	vld [tilespmem:s13+$0xFFFFFFB0]  }
0xc2: {  	v22 =	vld [tilespmem:s13+$0xFFFFFFC0]  }
0xc3: {  	v23 =	vld [tilespmem:s13+$0xFFFFFFD0]  }
0xc4: {  	v24 =	vld [tilespmem:s13+$0xFFFFFFE0]  }
0xc5: {  	v25 =	vld [tilespmem:s13+$0xFFFFFFF0]  }
0xc6: {  	v26 =	vld [tilespmem:s13+$0x0]  }
0xc7: {  	v27 =	vld [tilespmem:s13+$0x10]  }
0xc8: {  	v28 =	vld [tilespmem:s13+$0x20]  }
0xc9: {  	v29 =	vld [tilespmem:s13+$0x30]  }
0xca: {  	v30 =	vld [tilespmem:s13+$0x40]  }
0xcb: {  	v31 =	vld [tilespmem:s13+$0x50]  }
0xcc: {  	v32 =	vld [tilespmem:s13+$0x60]  }
0xcd: {  	[tilespmem:v18+s9+$0x0] =	vst.idx.add.f32.msk $0xffff, v17  }
0xce: {  	[tilespmem:v19+s9+$0x0] =	vst.idx.add.f32.msk $0xffff, v4  }
0xcf: {  	[tilespmem:v20+s9+$0x0] =	vst.idx.add.f32.msk $0xffff, v5  }
0xd0: {  	[tilespmem:v21+s9+$0x0] =	vst.idx.add.f32.msk $0xffff, v6  }
0xd1: {  	[tilespmem:v22+s9+$0x0] =	vst.idx.add.f32.msk $0xffff, v7  }
0xd2: {  	[tilespmem:v23+s9+$0x0] =	vst.idx.add.f32.msk $0xffff, v8  }
0xd3: {  	[tilespmem:v24+s9+$0x0] =	vst.idx.add.f32.msk $0xffff, v10  }
0xd4: {  	[tilespmem:v25+s9+$0x0] =	vst.idx.add.f32.msk $0xffff, v11  }
0xd5: {  	[tilespmem:v26+s9+$0x0] =	vst.idx.add.f32.msk $0xffff, v12  }
0xd6: {  	[tilespmem:v27+s9+$0x0] =	vst.idx.add.f32.msk $0xffff, v13  }
.Ltmp3:
0xd7: {  	[tilespmem:v28+s9+$0x0] =	vst.idx.add.f32.msk $0xffff, v14;
	(pc) =	sbr.rel @p1 .LBB2_4-.Ltmp3, $4  }
0xd8: {  	[tilespmem:v29+s9+$0x0] =	vst.idx.add.f32.msk $0xffff, v15  }
0xd9: {  	[tilespmem:v30+s9+$0x0] =	vst.idx.add.f32.msk $0xffff, v3  }
0xda: {  	[tilespmem:v31+s9+$0x0] =	vst.idx.add.f32.msk $0xffff, v9  }
0xdb: {  	s10 =	sadd.s32 $0x100, s10;
	[tilespmem:v32+s9+$0x0] =	vst.idx.add.f32.msk $0xffff, v16  }
.LBB2_5:
0xdc: {  	s10 =	sshra.s32 s2, $0x2  }
0xdd: {  	v3 =	vld [tilespmem:s10+$0x6130];
	_ =	sdelay $0x4  }
0xde: {  	v4 =	vld [tilespmem:s10+$0x74C0];
	_ =	sdelay $0x2  }
0xdf: {  	p1 =	sne.s32 s2, $0x200;
	v3 =	vld.idx.msk [tilespmem:v3+s3+$0x0], $0xffff  }
.Ltmp4:
0xe0: {  	_ = 	snop;
	(pc) =	sbr.rel @p1 .LBB2_5-.Ltmp4, $2  }
0xe1: {  	_ =	sdelay $0x2  }
0xe2: {  	s2 =	sadd.s32 $0x40, s2;
	[tilespmem:v4+s9+$0x0] =	vst.idx.add.f32.msk $0xffff, v3  }
0xe3: {  	[spmem:s6] =	stream.linear.scatter [tilespmem:s9], [sflag:$0x2], $0x2710, $0x38;
	[tilespmem:$0xC6E0] =	vst v63  }
.Ltmp5:
0xe4: {  	_ =	swait.ge [sflag:s8], $0x2710;
	(pc) =	sbr.rel @p0 .LBB2_10-.Ltmp5, $3  }
0xe5: {  	[sflag:s8] =	ssyncset.done $0x0  }
0xe6: {  	[sflag:s8] =	ssyncadd.s32 $0xFFFFD8F0  }
0xe7: {  	[bflag:$0x0] =	sbarrier.arrive $0xFFFF;
	_ =	sdelay $0x1  }
0xe8: {  	s2 =	rddreg [dreg:$0x6];
	s10 =	simm.s32 $0x7550  }
0xe9: {  	[tilespmem:s10], [sflag:$0x2] =	stream.linear.gather [spmem:s2], $0x190, $0x38;
	[tilespmem:$0xC6E0] =	vst v63  }
0xea: {  	s13 =	rddreg [dreg:$0x8];
	s14 =	simm.s32 $0x77D0  }
0xeb: {  	[tilespmem:s14], [sflag:$0x2] =	stream.linear.gather [spmem:s13], $0x190, $0x38;
	[tilespmem:$0xC6E0] =	vst v63  }
0xec: {  	s13 =	rddreg [dreg:$0x9];
	s14 =	simm.s32 $0x7A50  }
0xed: {  	[tilespmem:s14], [sflag:$0x2] =	stream.linear.gather [spmem:s13], $0x190, $0x38;
	[tilespmem:$0xC6E0] =	vst v63  }
0xee: {  	s13 =	rddreg [dreg:$0xa];
	s14 =	simm.s32 $0x7CD0  }
0xef: {  	[tilespmem:s14], [sflag:$0x2] =	stream.linear.gather [spmem:s13], $0x190, $0x38;
	[tilespmem:$0xC6E0] =	vst v63  }
0xf0: {  	s13 =	simm.s32 $0x7F50  }
0xf1: {  	[tilespmem:s13], [sflag:$0x2] =	stream.linear.gather [spmem:s15], $0x190, $0x38;
	[tilespmem:$0xC6E0] =	vst v63  }
0xf2: {  	s14 =	simm.s32 $0x81D0  }
0xf3: {  	[tilespmem:s14], [sflag:$0x2] =	stream.linear.gather [spmem:s16], $0x190, $0x38;
	[tilespmem:$0xC6E0] =	vst v63  }
0xf4: {  	s10 =	simm.s32 $0x8450  }
0xf5: {  	[tilespmem:s10], [sflag:$0x2] =	stream.linear.gather [spmem:s17], $0x190, $0x38;
	[tilespmem:$0xC6E0] =	vst v63  }
0xf6: {  	s13 =	simm.s32 $0x86D0  }
0xf7: {  	[tilespmem:s13], [sflag:$0x2] =	stream.linear.gather [spmem:s18], $0x190, $0x38;
	[tilespmem:$0xC6E0] =	vst v63  }
0xf8: {  	s10 =	simm.s32 $0x8950  }
0xf9: {  	[tilespmem:s10], [sflag:$0x2] =	stream.linear.gather [spmem:s19], $0x190, $0x38;
	[tilespmem:$0xC6E0] =	vst v63  }
0xfa: {  	s14 =	simm.s32 $0x8BD0  }
0xfb: {  	[tilespmem:s14], [sflag:$0x2] =	stream.linear.gather [spmem:s20], $0x190, $0x38;
	[tilespmem:$0xC6E0] =	vst v63  }
0xfc: {  	s13 =	simm.s32 $0x8E50  }
0xfd: {  	[tilespmem:s13], [sflag:$0x2] =	stream.linear.gather [spmem:s21], $0x190, $0x38;
	[tilespmem:$0xC6E0] =	vst v63  }
0xfe: {  	s14 =	simm.s32 $0x90D0  }
0xff: {  	[tilespmem:s14], [sflag:$0x2] =	stream.linear.gather [spmem:s22], $0x190, $0x38;
	[tilespmem:$0xC6E0] =	vst v63  }
0x100: {  	s13 =	simm.s32 $0x9350  }
0x101: {  	[tilespmem:s13], [sflag:$0x2] =	stream.linear.gather [spmem:s23], $0x190, $0x38;
	[tilespmem:$0xC6E0] =	vst v63  }
0x102: {  	s14 =	simm.s32 $0x95D0  }
0x103: {  	[tilespmem:s14], [sflag:$0x2] =	stream.linear.gather [spmem:s24], $0x190, $0x38;
	[tilespmem:$0xC6E0] =	vst v63  }
0x104: {  	s13 =	simm.s32 $0x9850  }
0x105: {  	[tilespmem:s13], [sflag:$0x2] =	stream.linear.gather [spmem:s25], $0x190, $0x38;
	[tilespmem:$0xC6E0] =	vst v63  }
0x106: {  	s14 =	simm.s32 $0x9AD0  }
0x107: {  	[tilespmem:s14], [sflag:$0x2] =	stream.linear.gather [spmem:s26], $0x190, $0x38;
	[tilespmem:$0xC6E0] =	vst v63  }
0x108: {  	_ =	swait.ge [sflag:s8], $0x1900  }
0x109: {  	[sflag:s8] =	ssyncset.done $0x0  }
0x10a: {  	[sflag:s8] =	ssyncadd.s32 $0xFFFFE700  }
0x10b: {  	v3 =	vld [tilespmem:s10+$0xFFFFEC10]  }
0x10c: {  	v4 =	vld [tilespmem:s10+$0xFFFFEE90]  }
0x10d: {  	v5 =	vld [tilespmem:s10+$0xFFFFEE80]  }
0x10e: {  	v6 =	vld [tilespmem:s10+$0xFFFFF110]  }
0x10f: {  	v7 =	vld [tilespmem:s10+$0xFFFFEC00]  }
0x110: {  	v8 =	vld [tilespmem:s10+$0xFFFFF390]  }
0x111: {  	v9 =	vld [tilespmem:s10+$0xFFFFF100]  }
0x112: {  	v10 =	vld [tilespmem:s10+$0xFFFFF610]  }
0x113: {  	v11 =	vld [tilespmem:s10+$0xFFFFF380]  }
0x114: {  	v12 =	vld [tilespmem:s10+$0xFFFFF890]  }
0x115: {  	v13 =	vld [tilespmem:s10+$0xFFFFF600]  }
0x116: {  	v14 =	vld [tilespmem:s10+$0xFFFFFB10]  }
0x117: {  	v15 =	vld [tilespmem:s10+$0xFFFFF880]  }
0x118: {  	v16 =	vld [tilespmem:s10+$0xFFFFFD90]  }
0x119: {  	v17 =	vld [tilespmem:s10+$0xFFFFFB00]  }
0x11a: {  	v18 =	vld [tilespmem:s10+$0x10]  }
0x11b: {  	v19 =	vld [tilespmem:s10+$0xFFFFFD80]  }
0x11c: {  	v20 =	vld [tilespmem:s10+$0x290]  }
0x11d: {  	v21 =	vld [tilespmem:s10+$0x0]  }
0x11e: {  	v22 =	vld [tilespmem:s10+$0x510]  }
0x11f: {  	v23 =	vld [tilespmem:s10+$0x280]  }
0x120: {  	v24 =	vld [tilespmem:s10+$0x790]  }
0x121: {  	v25 =	vld [tilespmem:s10+$0x500]  }
0x122: {  	v26 =	vld [tilespmem:s10+$0xA10]  }
0x123: {  	v27 =	vld [tilespmem:s10+$0x780]  }
0x124: {  	v28 =	vld [tilespmem:s10+$0xC90]  }
0x125: {  	v29 =	vld [tilespmem:s10+$0xA00]  }
0x126: {  	v30 =	vld [tilespmem:s10+$0xF10]  }
0x127: {  	v31 =	vld [tilespmem:s10+$0xC80]  }
0x128: {  	v32 =	vld [tilespmem:s10+$0x1190]  }
0x129: {  	v33 =	vld [tilespmem:s10+$0xF00]  }
0x12a: {  	s13 =	simm.s32 $0x8970;
	v34 =	vld [tilespmem:s10+$0x1180];
	v3 =	vadd.f32 v4, v3  }
0x12b: {  	v4 =	vadd.f32 v5, v7;
	v5 =	vld [tilespmem:s13+$0xFFFFEC10]  }
0x12c: {  	v7 =	vld [tilespmem:s13+$0xFFFFEE90];
	v3 =	vadd.f32 v6, v3  }
0x12d: {  	v4 =	vadd.f32 v9, v4;
	v6 =	vld [tilespmem:s13+$0xFFFFEE80]  }
0x12e: {  	v9 =	vld [tilespmem:s13+$0xFFFFF110];
	v3 =	vadd.f32 v8, v3  }
0x12f: {  	v4 =	vadd.f32 v11, v4;
	v8 =	vld [tilespmem:s13+$0xFFFFEC00]  }
0x130: {  	v11 =	vld [tilespmem:s13+$0xFFFFF390];
	v3 =	vadd.f32 v10, v3  }
0x131: {  	v5 =	vadd.f32 v7, v5;
	v4 =	vadd.f32 v13, v4;
	v10 =	vld [tilespmem:s13+$0xFFFFF100]  }
0x132: {  	v7 =	vld [tilespmem:s13+$0xFFFFF610];
	v3 =	vadd.f32 v12, v3  }
0x133: {  	v59 =	vld [tilespmem:s13+$0xFFFFF380];
	v5 =	vadd.f32 v9, v5;
	v4 =	vadd.f32 v15, v4  }
0x134: {  	v6 =	vadd.f32 v6, v8;
	v8 =	vld [tilespmem:s13+$0xFFFFF890];
	v3 =	vadd.f32 v14, v3  }
0x135: {  	v9 =	vld [tilespmem:s13+$0xFFFFF600];
	v5 =	vadd.f32 v11, v5;
	v4 =	vadd.f32 v17, v4  }
0x136: {  	v6 =	vadd.f32 v10, v6;
	v10 =	vld [tilespmem:s13+$0xFFFFFB10];
	v3 =	vadd.f32 v16, v3  }
0x137: {  	v11 =	vld [tilespmem:s13+$0xFFFFF880];
	v5 =	vadd.f32 v7, v5;
	v4 =	vadd.f32 v19, v4  }
0x138: {  	v7 =	vld [tilespmem:s13+$0xFFFFFD90];
	v6 =	vadd.f32 v59, v6;
	v3 =	vadd.f32 v18, v3  }
0x139: {  	v60 =	vld [tilespmem:s13+$0xFFFFFB00];
	v4 =	vadd.f32 v21, v4;
	v5 =	vadd.f32 v8, v5  }
0x13a: {  	v8 =	vld [tilespmem:s13+$0x10];
	v6 =	vadd.f32 v9, v6;
	v3 =	vadd.f32 v20, v3  }
0x13b: {  	v9 =	vld [tilespmem:s13+$0xFFFFFD80];
	v4 =	vadd.f32 v23, v4;
	v5 =	vadd.f32 v10, v5  }
0x13c: {  	v10 =	vld [tilespmem:s13+$0x290];
	v6 =	vadd.f32 v11, v6;
	v3 =	vadd.f32 v22, v3  }
0x13d: {  	v11 =	vld [tilespmem:s13+$0x0];
	v4 =	vadd.f32 v25, v4;
	v5 =	vadd.f32 v7, v5  }
0x13e: {  	v7 =	vld [tilespmem:s13+$0x510];
	v6 =	vadd.f32 v60, v6;
	v3 =	vadd.f32 v24, v3  }
0x13f: {  	v61 =	vld [tilespmem:s13+$0x280];
	v4 =	vadd.f32 v27, v4;
	v5 =	vadd.f32 v8, v5  }
0x140: {  	v8 =	vld [tilespmem:s13+$0x790];
	v6 =	vadd.f32 v9, v6;
	v3 =	vadd.f32 v26, v3  }
0x141: {  	v9 =	vld [tilespmem:s13+$0x500];
	v4 =	vadd.f32 v29, v4;
	v5 =	vadd.f32 v10, v5  }
0x142: {  	v10 =	vld [tilespmem:s13+$0xA10];
	v6 =	vadd.f32 v11, v6;
	v3 =	vadd.f32 v28, v3  }
0x143: {  	v11 =	vld [tilespmem:s13+$0x780];
	v4 =	vadd.f32 v31, v4;
	v5 =	vadd.f32 v7, v5  }
0x144: {  	v62 =	vld [tilespmem:s13+$0xC90];
	v6 =	vadd.f32 v61, v6;
	v7 =	vadd.f32 v30, v3  }
0x145: {  	v63 =	vld [tilespmem:s13+$0xA00];
	v4 =	vadd.f32 v33, v4;
	v5 =	vadd.f32 v8, v5  }
0x146: {  	v3 =	vld [tilespmem:s13+$0xF10];
	v6 =	vadd.f32 v9, v6;
	v7 =	vadd.f32 v32, v7  }
0x147: {  	s2 =	simm.s32 $0x9D60;
	v8 =	vadd.f32 v34, v4;
	v4 =	vld [tilespmem:s13+$0xC80];
	v9 =	vadd.f32 v10, v5  }
0x148: {  	v5 =	vld [tilespmem:s13+$0x1190];
	v6 =	vadd.f32 v11, v6;
	[tilespmem:s2+$0x0] =	vst v7  }
0x149: {  	v7 =	vld [tilespmem:s13+$0xF00];
	[tilespmem:s2+$0xFFFFFFF0] =	vst v8;
	v8 =	vadd.f32 v62, v9  }
0x14a: {  	s10 =	simm.s32 $0x2;
	v9 =	vadd.f32 v63, v6;
	v6 =	vld [tilespmem:s13+$0x1180];
	s13 =	simm.s32 $0x8990  }
.LBB2_8:
0x14b: {  	v10 =	vld [tilespmem:s13+$0xFFFFEC10];
	v3 =	vadd.f32 v3, v8  }
0x14c: {  	s10 =	sadd.s32 $0x2, s10;
	v8 =	vld [tilespmem:s13+$0xFFFFEE90];
	v4 =	vadd.f32 v4, v9  }
0x14d: {  	p1 =	slt.u32 s10, $0x16;
	v9 =	vld [tilespmem:s13+$0xFFFFEE80];
	v3 =	vadd.f32 v5, v3  }
0x14e: {  	s2 =	sadd.s32 $0x20, s2;
	v5 =	vld [tilespmem:s13+$0xFFFFF110];
	v4 =	vadd.f32 v7, v4  }
0x14f: {  	v7 =	vld [tilespmem:s13+$0xFFFFEC00];
	[tilespmem:s2+$0x0] =	vst v3  }
0x150: {  	v3 =	vld [tilespmem:s13+$0xFFFFF390];
	v4 =	vadd.f32 v6, v4  }
0x151: {  	v6 =	vld [tilespmem:s13+$0xFFFFF100];
	v8 =	vadd.f32 v8, v10  }
0x152: {  	v10 =	vld [tilespmem:s13+$0xFFFFF610];
	[tilespmem:s2+$0xFFFFFFF0] =	vst v4  }
0x153: {  	v4 =	vld [tilespmem:s13+$0xFFFFF380];
	v5 =	vadd.f32 v5, v8  }
0x154: {  	v7 =	vadd.f32 v9, v7;
	v8 =	vld [tilespmem:s13+$0xFFFFF890]  }
0x155: {  	v9 =	vld [tilespmem:s13+$0xFFFFF600];
	v3 =	vadd.f32 v3, v5  }
0x156: {  	v5 =	vadd.f32 v6, v7;
	v6 =	vld [tilespmem:s13+$0xFFFFFB10]  }
0x157: {  	v7 =	vld [tilespmem:s13+$0xFFFFF880];
	v3 =	vadd.f32 v10, v3  }
0x158: {  	v4 =	vadd.f32 v4, v5;
	v5 =	vld [tilespmem:s13+$0xFFFFFD90]  }
0x159: {  	v10 =	vld [tilespmem:s13+$0xFFFFFB00];
	v3 =	vadd.f32 v8, v3  }
0x15a: {  	v4 =	vadd.f32 v9, v4;
	v8 =	vld [tilespmem:s13+$0x10]  }
0x15b: {  	v9 =	vld [tilespmem:s13+$0xFFFFFD80];
	v3 =	vadd.f32 v6, v3  }
0x15c: {  	v4 =	vadd.f32 v7, v4;
	v6 =	vld [tilespmem:s13+$0x290]  }
0x15d: {  	v7 =	vld [tilespmem:s13+$0x0];
	v3 =	vadd.f32 v5, v3  }
0x15e: {  	v4 =	vadd.f32 v10, v4;
	v5 =	vld [tilespmem:s13+$0x510]  }
0x15f: {  	v10 =	vld [tilespmem:s13+$0x280];
	v3 =	vadd.f32 v8, v3  }
0x160: {  	v4 =	vadd.f32 v9, v4;
	v8 =	vld [tilespmem:s13+$0x790]  }
0x161: {  	v9 =	vld [tilespmem:s13+$0x500];
	v3 =	vadd.f32 v6, v3  }
0x162: {  	v4 =	vadd.f32 v7, v4;
	v6 =	vld [tilespmem:s13+$0xA10]  }
0x163: {  	v7 =	vld [tilespmem:s13+$0x780];
	v3 =	vadd.f32 v5, v3  }
0x164: {  	v4 =	vadd.f32 v10, v4;
	v10 =	vld [tilespmem:s13+$0xC90]  }
0x165: {  	v11 =	vld [tilespmem:s13+$0xA00];
	v5 =	vadd.f32 v8, v3  }
.Ltmp6:
0x166: {  	v8 =	vadd.f32 v9, v4;
	v3 =	vld [tilespmem:s13+$0xF10];
	(pc) =	sbr.rel @p1 .LBB2_8-.Ltmp6, $4  }
0x167: {  	v4 =	vld [tilespmem:s13+$0xC80];
	v6 =	vadd.f32 v6, v5  }
0x168: {  	v9 =	vadd.f32 v7, v8;
	v5 =	vld [tilespmem:s13+$0x1190]  }
0x169: {  	v7 =	vld [tilespmem:s13+$0xF00];
	v8 =	vadd.f32 v10, v6  }
0x16a: {  	v9 =	vadd.f32 v11, v9;
	v6 =	vld [tilespmem:s13+$0x1180];
	s13 =	sadd.s32 $0x20, s13  }
0x16b: {  	_ = 	snop  }
0x16c: {  	v4 =	vadd.f32 v4, v9  }
0x16d: {  	v3 =	vadd.f32 v3, v8  }
0x16e: {  	v4 =	vadd.f32 v7, v4  }
0x16f: {  	v3 =	vadd.f32 v5, v3  }
0x170: {  	s2 =	sadd.s32 $0x20, s2;
	v4 =	vadd.f32 v6, v4  }
0x171: {  	[tilespmem:s2+$0x0] =	vst v3  }
0x172: {  	[tilespmem:s2+$0xFFFFFFF0] =	vst v4  }
0x173: {  	v3 =	vld [tilespmem:$0x76D0]  }
0x174: {  	v4 =	vld [tilespmem:$0x7950];
	_ =	sdelay $0x1  }
0x175: {  	v50 =	vld [tilespmem:$0x7BD0];
	_ =	sdelay $0x1  }
0x176: {  	v51 =	vld [tilespmem:$0x7E50]  }
0x177: {  	v3 =	vadd.f32 v4, v3  }
0x178: {  	v52 =	vld [tilespmem:$0x80D0]  }
0x179: {  	v3 =	vadd.f32 v50, v3  }
0x17a: {  	v53 =	vld [tilespmem:$0x8350]  }
0x17b: {  	v3 =	vadd.f32 v51, v3  }
0x17c: {  	v54 =	vld [tilespmem:$0x85D0]  }
0x17d: {  	v3 =	vadd.f32 v52, v3  }
0x17e: {  	v55 =	vld [tilespmem:$0x8850]  }
0x17f: {  	v3 =	vadd.f32 v53, v3  }
0x180: {  	v56 =	vld [tilespmem:$0x8AD0]  }
0x181: {  	v3 =	vadd.f32 v54, v3  }
0x182: {  	v57 =	vld [tilespmem:$0x8D50]  }
0x183: {  	v3 =	vadd.f32 v55, v3  }
0x184: {  	v58 =	vld [tilespmem:$0x8FD0]  }
0x185: {  	v3 =	vadd.f32 v56, v3  }
0x186: {  	v59 =	vld [tilespmem:$0x9250]  }
0x187: {  	v3 =	vadd.f32 v57, v3  }
0x188: {  	v60 =	vld [tilespmem:$0x94D0]  }
0x189: {  	v3 =	vadd.f32 v58, v3  }
0x18a: {  	v61 =	vld [tilespmem:$0x9750]  }
0x18b: {  	v3 =	vadd.f32 v59, v3  }
0x18c: {  	v62 =	vld [tilespmem:$0x99D0]  }
0x18d: {  	v3 =	vadd.f32 v60, v3  }
0x18e: {  	v63 =	vld [tilespmem:$0x9C50]  }
0x18f: {  	v3 =	vadd.f32 v61, v3;
	_ =	sdelay $0x1  }
0x190: {  	v3 =	vadd.f32 v62, v3;
	_ =	sdelay $0x1  }
0x191: {  	v3 =	vadd.f32 v63, v3;
	_ =	sdelay $0x1  }
.Ltmp7:
0x192: {  	s2 =	rddreg [dreg:$0x7];
	[tilespmem:$0x9ED0] =	vst v3;
	(pc) =	sbr.rel .LBB2_13-.Ltmp7, $4  }
0x193: {  	[hbm4b:s2+s3] =	stream.linear.scatter [tilespmem:s1], [sflag:$0x2], $0x190, $0x38;
	[tilespmem:$0xC6E0] =	vst v63  }
0x194: {  	_ =	swait.ge [sflag:s8], $0x190  }
0x195: {  	[sflag:s8] =	ssyncset.done $0x0  }
0x196: {  	[sflag:s8] =	ssyncadd.s32 $0xFFFFFE70  }
.LBB2_10:
0x197: {  	s2 =	rddreg [dreg:$0x4]  }
0x198: {  	s10 =	simm.s32 $0x7550;
	s13 =	simm.s32 $0x280;
	s14 =	simm.s32 $0x2710  }
0x199: {  	[tilespmem:s10], [sflag:$0x2] =	stream.strided.gather [spmem:s2], $0x2800, s14, s13, $0x38;
	[tilespmem:$0xC6E0] =	vst v63  }
0x19a: {  	_ =	swait.ge [sflag:s8], $0x2800  }
0x19b: {  	[sflag:s8] =	ssyncset.done $0x0  }
0x19c: {  	s13 =	simm.s32 $0x8950;
	[sflag:s8] =	ssyncadd.s32 $0xFFFFD800  }
0x19d: {  	v3 =	vld [tilespmem:s13+$0xFFFFEC10]  }
0x19e: {  	v4 =	vld [tilespmem:s13+$0xFFFFEE90]  }
0x19f: {  	v5 =	vld [tilespmem:s13+$0xFFFFEE80]  }
0x1a0: {  	v6 =	vld [tilespmem:s13+$0xFFFFF110]  }
0x1a1: {  	v7 =	vld [tilespmem:s13+$0xFFFFEC00]  }
0x1a2: {  	v8 =	vld [tilespmem:s13+$0xFFFFF390]  }
0x1a3: {  	v9 =	vld [tilespmem:s13+$0xFFFFF100]  }
0x1a4: {  	v10 =	vld [tilespmem:s13+$0xFFFFF610]  }
0x1a5: {  	v11 =	vld [tilespmem:s13+$0xFFFFF380]  }
0x1a6: {  	v12 =	vld [tilespmem:s13+$0xFFFFF890]  }
0x1a7: {  	v13 =	vld [tilespmem:s13+$0xFFFFF600]  }
0x1a8: {  	v14 =	vld [tilespmem:s13+$0xFFFFFB10]  }
0x1a9: {  	v15 =	vld [tilespmem:s13+$0xFFFFF880]  }
0x1aa: {  	v16 =	vld [tilespmem:s13+$0xFFFFFD90]  }
0x1ab: {  	v17 =	vld [tilespmem:s13+$0xFFFFFB00]  }
0x1ac: {  	v18 =	vld [tilespmem:s13+$0x10]  }
0x1ad: {  	v19 =	vld [tilespmem:s13+$0xFFFFFD80]  }
0x1ae: {  	v20 =	vld [tilespmem:s13+$0x290]  }
0x1af: {  	v21 =	vld [tilespmem:s13+$0x0]  }
0x1b0: {  	v22 =	vld [tilespmem:s13+$0x510]  }
0x1b1: {  	v23 =	vld [tilespmem:s13+$0x280]  }
0x1b2: {  	v24 =	vld [tilespmem:s13+$0x790]  }
0x1b3: {  	v25 =	vld [tilespmem:s13+$0x500]  }
0x1b4: {  	v26 =	vld [tilespmem:s13+$0xA10]  }
0x1b5: {  	v27 =	vld [tilespmem:s13+$0x780]  }
0x1b6: {  	v28 =	vld [tilespmem:s13+$0xC90]  }
0x1b7: {  	v29 =	vld [tilespmem:s13+$0xA00]  }
0x1b8: {  	v30 =	vld [tilespmem:s13+$0xF10]  }
0x1b9: {  	v31 =	vld [tilespmem:s13+$0xC80]  }
0x1ba: {  	v32 =	vld [tilespmem:s13+$0x1190]  }
0x1bb: {  	v33 =	vld [tilespmem:s13+$0xF00]  }
0x1bc: {  	s14 =	simm.s32 $0x8970;
	v34 =	vld [tilespmem:s13+$0x1180];
	v3 =	vadd.f32 v4, v3  }
0x1bd: {  	v4 =	vadd.f32 v5, v7;
	v5 =	vld [tilespmem:s14+$0xFFFFEC10]  }
0x1be: {  	v7 =	vld [tilespmem:s14+$0xFFFFEE90];
	v3 =	vadd.f32 v6, v3  }
0x1bf: {  	v4 =	vadd.f32 v9, v4;
	v6 =	vld [tilespmem:s14+$0xFFFFEE80]  }
0x1c0: {  	v9 =	vld [tilespmem:s14+$0xFFFFF110];
	v3 =	vadd.f32 v8, v3  }
0x1c1: {  	v4 =	vadd.f32 v11, v4;
	v8 =	vld [tilespmem:s14+$0xFFFFEC00]  }
0x1c2: {  	v11 =	vld [tilespmem:s14+$0xFFFFF390];
	v3 =	vadd.f32 v10, v3  }
0x1c3: {  	v5 =	vadd.f32 v7, v5;
	v4 =	vadd.f32 v13, v4;
	v10 =	vld [tilespmem:s14+$0xFFFFF100]  }
0x1c4: {  	v7 =	vld [tilespmem:s14+$0xFFFFF610];
	v3 =	vadd.f32 v12, v3  }
0x1c5: {  	v59 =	vld [tilespmem:s14+$0xFFFFF380];
	v5 =	vadd.f32 v9, v5;
	v4 =	vadd.f32 v15, v4  }
0x1c6: {  	v6 =	vadd.f32 v6, v8;
	v8 =	vld [tilespmem:s14+$0xFFFFF890];
	v3 =	vadd.f32 v14, v3  }
0x1c7: {  	v9 =	vld [tilespmem:s14+$0xFFFFF600];
	v5 =	vadd.f32 v11, v5;
	v4 =	vadd.f32 v17, v4  }
0x1c8: {  	v6 =	vadd.f32 v10, v6;
	v10 =	vld [tilespmem:s14+$0xFFFFFB10];
	v3 =	vadd.f32 v16, v3  }
0x1c9: {  	v11 =	vld [tilespmem:s14+$0xFFFFF880];
	v5 =	vadd.f32 v7, v5;
	v4 =	vadd.f32 v19, v4  }
0x1ca: {  	v7 =	vld [tilespmem:s14+$0xFFFFFD90];
	v6 =	vadd.f32 v59, v6;
	v3 =	vadd.f32 v18, v3  }
0x1cb: {  	v60 =	vld [tilespmem:s14+$0xFFFFFB00];
	v4 =	vadd.f32 v21, v4;
	v5 =	vadd.f32 v8, v5  }
0x1cc: {  	v8 =	vld [tilespmem:s14+$0x10];
	v6 =	vadd.f32 v9, v6;
	v3 =	vadd.f32 v20, v3  }
0x1cd: {  	v9 =	vld [tilespmem:s14+$0xFFFFFD80];
	v4 =	vadd.f32 v23, v4;
	v5 =	vadd.f32 v10, v5  }
0x1ce: {  	v10 =	vld [tilespmem:s14+$0x290];
	v6 =	vadd.f32 v11, v6;
	v3 =	vadd.f32 v22, v3  }
0x1cf: {  	v11 =	vld [tilespmem:s14+$0x0];
	v4 =	vadd.f32 v25, v4;
	v5 =	vadd.f32 v7, v5  }
0x1d0: {  	v7 =	vld [tilespmem:s14+$0x510];
	v6 =	vadd.f32 v60, v6;
	v3 =	vadd.f32 v24, v3  }
0x1d1: {  	v61 =	vld [tilespmem:s14+$0x280];
	v4 =	vadd.f32 v27, v4;
	v5 =	vadd.f32 v8, v5  }
0x1d2: {  	v8 =	vld [tilespmem:s14+$0x790];
	v6 =	vadd.f32 v9, v6;
	v3 =	vadd.f32 v26, v3  }
0x1d3: {  	v9 =	vld [tilespmem:s14+$0x500];
	v4 =	vadd.f32 v29, v4;
	v5 =	vadd.f32 v10, v5  }
0x1d4: {  	v10 =	vld [tilespmem:s14+$0xA10];
	v6 =	vadd.f32 v11, v6;
	v3 =	vadd.f32 v28, v3  }
0x1d5: {  	v11 =	vld [tilespmem:s14+$0x780];
	v4 =	vadd.f32 v31, v4;
	v5 =	vadd.f32 v7, v5  }
0x1d6: {  	v62 =	vld [tilespmem:s14+$0xC90];
	v6 =	vadd.f32 v61, v6;
	v7 =	vadd.f32 v30, v3  }
0x1d7: {  	v63 =	vld [tilespmem:s14+$0xA00];
	v4 =	vadd.f32 v33, v4;
	v5 =	vadd.f32 v8, v5  }
0x1d8: {  	v3 =	vld [tilespmem:s14+$0xF10];
	v6 =	vadd.f32 v9, v6;
	v7 =	vadd.f32 v32, v7  }
0x1d9: {  	s2 =	simm.s32 $0x9D60;
	v8 =	vadd.f32 v34, v4;
	v4 =	vld [tilespmem:s14+$0xC80];
	v9 =	vadd.f32 v10, v5  }
0x1da: {  	v5 =	vld [tilespmem:s14+$0x1190];
	v6 =	vadd.f32 v11, v6;
	[tilespmem:s2+$0x0] =	vst v7  }
0x1db: {  	v7 =	vld [tilespmem:s14+$0xF00];
	[tilespmem:s2+$0xFFFFFFF0] =	vst v8;
	v8 =	vadd.f32 v62, v9  }
0x1dc: {  	s10 =	simm.s32 $0x2;
	s13 =	simm.s32 $0x8990;
	v9 =	vadd.f32 v63, v6;
	v6 =	vld [tilespmem:s14+$0x1180]  }
.LBB2_11:
0x1dd: {  	v10 =	vld [tilespmem:s13+$0xFFFFEC10];
	v3 =	vadd.f32 v3, v8  }
0x1de: {  	s10 =	sadd.s32 $0x2, s10;
	v4 =	vadd.f32 v4, v9;
	v8 =	vld [tilespmem:s13+$0xFFFFEE90]  }
0x1df: {  	p1 =	slt.u32 s10, $0x26;
	v9 =	vld [tilespmem:s13+$0xFFFFEE80];
	v3 =	vadd.f32 v5, v3  }
0x1e0: {  	s2 =	sadd.s32 $0x20, s2;
	v4 =	vadd.f32 v7, v4;
	v5 =	vld [tilespmem:s13+$0xFFFFF110]  }
0x1e1: {  	v7 =	vld [tilespmem:s13+$0xFFFFEC00];
	[tilespmem:s2+$0x0] =	vst v3  }
0x1e2: {  	v4 =	vadd.f32 v6, v4;
	v3 =	vld [tilespmem:s13+$0xFFFFF390]  }
0x1e3: {  	v6 =	vld [tilespmem:s13+$0xFFFFF100];
	v8 =	vadd.f32 v8, v10  }
0x1e4: {  	v10 =	vld [tilespmem:s13+$0xFFFFF610];
	[tilespmem:s2+$0xFFFFFFF0] =	vst v4  }
0x1e5: {  	v4 =	vld [tilespmem:s13+$0xFFFFF380];
	v5 =	vadd.f32 v5, v8  }
0x1e6: {  	v7 =	vadd.f32 v9, v7;
	v8 =	vld [tilespmem:s13+$0xFFFFF890]  }
0x1e7: {  	v9 =	vld [tilespmem:s13+$0xFFFFF600];
	v3 =	vadd.f32 v3, v5  }
0x1e8: {  	v5 =	vadd.f32 v6, v7;
	v6 =	vld [tilespmem:s13+$0xFFFFFB10]  }
0x1e9: {  	v7 =	vld [tilespmem:s13+$0xFFFFF880];
	v3 =	vadd.f32 v10, v3  }
0x1ea: {  	v4 =	vadd.f32 v4, v5;
	v5 =	vld [tilespmem:s13+$0xFFFFFD90]  }
0x1eb: {  	v10 =	vld [tilespmem:s13+$0xFFFFFB00];
	v3 =	vadd.f32 v8, v3  }
0x1ec: {  	v4 =	vadd.f32 v9, v4;
	v8 =	vld [tilespmem:s13+$0x10]  }
0x1ed: {  	v9 =	vld [tilespmem:s13+$0xFFFFFD80];
	v3 =	vadd.f32 v6, v3  }
0x1ee: {  	v4 =	vadd.f32 v7, v4;
	v6 =	vld [tilespmem:s13+$0x290]  }
0x1ef: {  	v7 =	vld [tilespmem:s13+$0x0];
	v3 =	vadd.f32 v5, v3  }
0x1f0: {  	v4 =	vadd.f32 v10, v4;
	v5 =	vld [tilespmem:s13+$0x510]  }
0x1f1: {  	v10 =	vld [tilespmem:s13+$0x280];
	v3 =	vadd.f32 v8, v3  }
0x1f2: {  	v4 =	vadd.f32 v9, v4;
	v8 =	vld [tilespmem:s13+$0x790]  }
0x1f3: {  	v9 =	vld [tilespmem:s13+$0x500];
	v3 =	vadd.f32 v6, v3  }
0x1f4: {  	v4 =	vadd.f32 v7, v4;
	v6 =	vld [tilespmem:s13+$0xA10]  }
0x1f5: {  	v7 =	vld [tilespmem:s13+$0x780];
	v3 =	vadd.f32 v5, v3  }
0x1f6: {  	v4 =	vadd.f32 v10, v4;
	v10 =	vld [tilespmem:s13+$0xC90]  }
0x1f7: {  	v11 =	vld [tilespmem:s13+$0xA00];
	v5 =	vadd.f32 v8, v3  }
.Ltmp8:
0x1f8: {  	v8 =	vadd.f32 v9, v4;
	v3 =	vld [tilespmem:s13+$0xF10];
	(pc) =	sbr.rel @p1 .LBB2_11-.Ltmp8, $4  }
0x1f9: {  	v4 =	vld [tilespmem:s13+$0xC80];
	v6 =	vadd.f32 v6, v5  }
0x1fa: {  	v9 =	vadd.f32 v7, v8;
	v5 =	vld [tilespmem:s13+$0x1190]  }
0x1fb: {  	v7 =	vld [tilespmem:s13+$0xF00];
	v8 =	vadd.f32 v10, v6  }
0x1fc: {  	v9 =	vadd.f32 v11, v9;
	v6 =	vld [tilespmem:s13+$0x1180];
	s13 =	sadd.s32 $0x20, s13  }
.Ltmp9:
0x1fd: {  	_ = 	snop;
	(pc) =	sbr.rel .LBB2_12-.Ltmp9, $1  }
0x1fe: {  	_ =	sdelay $0x3  }
.LBB2_14:
0x1ff: {  	_ =	sfence.sel $0x180000  }
0x200: {  	[bflag:$0x0] =	sbarrier.arrive $0xFFFF  }
0x201: {  	_ =	strace $0x90000047  }
0x202: {  	s0 =	stileid.u32;
	[bflag:$0x2] =	sbarrier.arrive $0xFFFF  }
0x203: {  	p0 =	sne.s32 s0, $0x0;
	s0 =	rddreg [dreg:$0x3]  }
0x204: {  	s0 =	sadd.s32 @!p0 $0x100000, s0  }
0x205: {  	[sflag:s0] =	ssyncadd.tile.s32 @!p0 $0x1;
	_ =	shalt  }
.Lfunc_end2:
_tile_overlayer_lowered:
.L_overlay_start_2:
0x206: {  	(tag) =	ssettag $0x2  }
0x207: {  	s0 =	rddreg [dreg:$0x0];
	s2 =	stileid.u32  }
0x208: {  	s1 =	rddreg [dreg:$0x1];
	p0 =	sne.s32 s2, $0x0  }
0x209: {  	s3 =	rddreg [dreg:$0x2];
	[bflag:$0x3] =	sbarrier.arrive $0xFFFF;
	s2 =	simm.s32 @!p0 $0x1C02  }
0x20a: {  	[timem:s3], [sflag:s2] =	dma.local @!p0 [hbm:s0], s1  }
0x20b: {  	s0 =	simm.s32 @!p0 $0x2  }
0x20c: {  	_ =	swait.ge @!p0 [sflag:s0], s1  }
0x20d: {  	s1 =	ssub.s32 @!p0 $0x0, s1;
	[sflag:s0] =	ssyncset.done @!p0 $0x0  }
0x20e: {  	[sflag:s0] =	ssyncadd.s32 @!p0 s1  }
0x20f: {  	[bflag:$0x3] =	sbarrier.arrive $0xFFFF  }
0x210: {  	_ =	shalt  }

</sc_bundles>
